<compile_context>
chip_gen: v7x
topology: tpu7x:2x2x1
jax: 0.10.2.dev20260603
libtpu: 0.0.44.dev20260713+nightly
codegen_flags: <defaults>
</compile_context>

<pallas_src>
import dataclasses

import jax
import jax.numpy as jnp
from jax import lax
from jax.experimental import pallas as pl
from jax.experimental.pallas import tpu as pltpu
from jax.experimental.pallas import tpu_sc as plsc

_C = 16
_B = 16384
_NW = 32
_EPW = _B // _NW
_PITCH = 17

_LOG1P_P = (-0.008466129016818367, 0.0436580512857575, -0.10679717589934831,
            0.1765967880850523, -0.24453302495503662, 0.3326523501519017,
            -0.49996354303547863, 0.9999995178202268)


def _sc_body(lbl_hbm, log_hbm, dom_hbm, tsi_hbm, out_hbm,
             lblv, lblp, idxv, xv, dv,
             tA_t, cA_t, tB_t, cB_t,
             oA, oCA, oB, oCB, tsis):
    wid = lax.axis_index("s") * 2 + lax.axis_index("c")
    base = wid * _EPW

    pltpu.sync_copy(tsi_hbm, tsis)
    pltpu.sync_copy(lbl_hbm.at[pl.ds(base * _C, _EPW * _C)], lblv)
    pltpu.sync_copy(dom_hbm.at[pl.ds(base, _EPW)], dv)

    iota = lax.broadcasted_iota(jnp.int32, (_C,), 0)
    zero16 = jnp.zeros((_C,), jnp.float32)
    ones16 = jnp.ones((_C,), jnp.float32)

    for j in range(_PITCH):
        tA_t[pl.ds(j * _C, _C)] = zero16
        cA_t[pl.ds(j * _C, _C)] = zero16
        tB_t[pl.ds(j * _C, _C)] = zero16
        cB_t[pl.ds(j * _C, _C)] = zero16

    @pl.loop(0, _EPW)
    def _(j):
        row = lblv[pl.ds(j * _C, _C)]
        plsc.store_scatter(lblp, [j * _PITCH + iota], row)

    @pl.loop(0, _EPW // _C)
    def _(k):
        rowb = (k * _C + iota) * _PITCH
        best = plsc.load_gather(lblp, [rowb])
        bidx = jnp.zeros((_C,), jnp.int32)
        for c in range(1, _C):
            v = plsc.load_gather(lblp, [rowb + c])
            gt = v > best
            best = jnp.where(gt, v, best)
            bidx = jnp.where(gt, c, bidx)
        g = base + k * _C + iota
        idxv[pl.ds(k * _C, _C)] = bidx * _B + g

    pltpu.sync_copy(log_hbm.at[idxv], xv)

    tsiv = tsis[...]

    @pl.loop(0, _EPW // _C)
    def _(k):
        sl = pl.ds(k * _C, _C)
        x = xv[sl]
        d = dv[sl]
        cls = lax.shift_right_logical(idxv[sl], 14)
        u = jnp.exp(-jnp.abs(x))
        p = jnp.full((_C,), _LOG1P_P[0], jnp.float32)
        for coef in _LOG1P_P[1:]:
            p = p * u + coef
        sp = u * p
        tA = jnp.maximum(x, 0.0) - x * d + sp
        tB = tA + x * (2.0 * d - 1.0)
        g = base + k * _C + iota
        m = jnp.where(g >= tsiv, 1.0, 0.0).astype(jnp.float32)
        addr = iota * _PITCH + cls
        plsc.addupdate_scatter(tA_t, [addr], tA)
        plsc.addupdate_scatter(cA_t, [addr], ones16)
        plsc.addupdate_scatter(tB_t, [addr], tB * m)
        plsc.addupdate_scatter(cB_t, [addr], m)

    accA = zero16
    accCA = zero16
    accB = zero16
    accCB = zero16
    for j in range(_C):
        adr = j * _PITCH + iota
        accA = accA + plsc.load_gather(tA_t, [adr])
        accCA = accCA + plsc.load_gather(cA_t, [adr])
        accB = accB + plsc.load_gather(tB_t, [adr])
        accCB = accCB + plsc.load_gather(cB_t, [adr])
    oA[...] = accA
    oCA[...] = accCA
    oB[...] = accB
    oCB[...] = accCB
    pltpu.sync_copy(oA, out_hbm.at[0, wid])
    pltpu.sync_copy(oCA, out_hbm.at[1, wid])
    pltpu.sync_copy(oB, out_hbm.at[2, wid])
    pltpu.sync_copy(oCB, out_hbm.at[3, wid])


def _fin_body(p_ref, outA_ref, outB_ref):
    s = jnp.sum(p_ref[...], axis=1)
    lossA = jnp.sum(s[0] / s[1]) * (1.0 / _C)
    lossB = jnp.sum(s[2] / s[3]) * (1.0 / _C)
    outA_ref[...] = jnp.broadcast_to(lossA, (1, 1))
    outB_ref[...] = jnp.broadcast_to(lossB, (1, 1))


def kernel(logits_list, labels, domain, target_start_id):
    lbl_flat = labels.reshape(-1)
    log_flat = logits_list.reshape(-1)
    dom_flat = domain.reshape(-1)
    tsi = jnp.broadcast_to(jnp.asarray(target_start_id, jnp.int32), (_C,))

    mesh = plsc.VectorSubcoreMesh(core_axis_name="c", subcore_axis_name="s")
    cp = pltpu.CompilerParams()
    if "needs_layout_passes" in pltpu.CompilerParams.__dataclass_fields__:
        cp = dataclasses.replace(cp, needs_layout_passes=False)
    sc_call = pl.kernel(
        out_type=jax.ShapeDtypeStruct((4, _NW, _C), jnp.float32),
        mesh=mesh,
        compiler_params=cp,
        scratch_types=[
            pltpu.VMEM((_EPW * _C,), jnp.float32),
            pltpu.VMEM((_EPW * _PITCH,), jnp.float32),
            pltpu.VMEM((_EPW,), jnp.int32),
            pltpu.VMEM((_EPW,), jnp.float32),
            pltpu.VMEM((_EPW,), jnp.float32),
            pltpu.VMEM((_C * _PITCH,), jnp.float32),
            pltpu.VMEM((_C * _PITCH,), jnp.float32),
            pltpu.VMEM((_C * _PITCH,), jnp.float32),
            pltpu.VMEM((_C * _PITCH,), jnp.float32),
            pltpu.VMEM((_C,), jnp.float32),
            pltpu.VMEM((_C,), jnp.float32),
            pltpu.VMEM((_C,), jnp.float32),
            pltpu.VMEM((_C,), jnp.float32),
            pltpu.VMEM((_C,), jnp.int32),
        ],
    )(_sc_body)
    partials = sc_call(lbl_flat, log_flat, dom_flat, tsi)

    outA, outB = pl.pallas_call(
        _fin_body,
        out_shape=(jax.ShapeDtypeStruct((1, 1), jnp.float32),
                   jax.ShapeDtypeStruct((1, 1), jnp.float32)),
    )(partials)
    return (outA[0, 0], outB[0, 0])

# --- scband reference (transcript-rebuilt; emitter-appended) ---
"""Pipeline reference for scband-conditional-domain-loss-89455578841267 (READ-ONLY COPY).

The authoritative reference and input builder live on the scoring server;
editing this copy changes nothing except your own understanding.
"""

import jax, jax.numpy as jnp
import numpy as np

NUM_CLASSES = 16
BATCH = 16384


def setup_inputs(seed: int = 0) -> dict:
    key = jax.random.key(seed)
    k1, k2, k3 = jax.random.split(key, 3)
    logits_list = jax.random.normal(k1, (NUM_CLASSES, BATCH, 1), dtype=jnp.float32)
    labels = jax.random.normal(k2, (BATCH, NUM_CLASSES), dtype=jnp.float32)
    domain = jax.random.uniform(k3, (BATCH, 1), dtype=jnp.float32)
    return {"logits_list": logits_list, "labels": labels, "domain": domain, "target_start_id": 8192}


def _bce_with_logits(x, y):
    # numerically stable, mean reduction (matches F.binary_cross_entropy_with_logits)
    return jnp.mean(jnp.maximum(x, 0.0) - x * y + jnp.log1p(jnp.exp(-jnp.abs(x))))


def _bce_with_logits_terms(x, y):
    # numerically stable, elementwise terms (mean taken via masked reduction)
    return jnp.maximum(x, 0.0) - x * y + jnp.log1p(jnp.exp(-jnp.abs(x)))


def reference(logits_list, labels, domain, target_start_id):
    batch = labels.shape[0]
    is_source = jnp.arange(batch) < target_start_id
    adv_domain = 1.0 - domain

    cls = jnp.argmax(labels, axis=1)

    lossA = jnp.float32(0.0)
    lossB = jnp.float32(0.0)
    for label in range(NUM_CLASSES):
        m = cls == label
        m_src = (m & is_source)[:, None].astype(jnp.float32)
        m_tgt = (m & ~is_source)[:, None].astype(jnp.float32)

        x = logits_list[label]
        termsA = _bce_with_logits_terms(x, domain)
        termsB = _bce_with_logits_terms(x, adv_domain)

        nA = jnp.sum(m_src) + jnp.sum(m_tgt)
        nB = jnp.sum(m_tgt)

        lossA = lossA + jnp.sum(termsA * (m_src + m_tgt)) / nA
        lossB = lossB + jnp.sum(termsB * m_tgt) / nB

    lossA = lossA / NUM_CLASSES
    lossB = lossB / NUM_CLASSES
    return (lossA, lossB)

if __name__ == "__main__":
    import jax
    _d = setup_inputs()
    print(jax.jit(kernel)(*tuple(_d.values())))

</pallas_src>

<mosaic_0001>
#map = affine_map<(d0, d1) -> (0)>
#map1 = affine_map<(d0, d1) -> (0, 0, 0)>
module attributes {stable_mosaic.version = 14 : i64} {
  func.func @_sc_body(%arg0: i32, %arg1: i32, %arg2: memref<262144xf32, #tpu.memory_space<hbm>>, %arg3: memref<262144xf32, #tpu.memory_space<hbm>>, %arg4: memref<16384xf32, #tpu.memory_space<hbm>>, %arg5: memref<16xi32, #tpu.memory_space<hbm>>, %arg6: memref<4x32x16xf32, #tpu.memory_space<hbm>>, %arg7: memref<8192xf32, #tpu.memory_space<vmem>>, %arg8: memref<8704xf32, #tpu.memory_space<vmem>>, %arg9: memref<512xi32, #tpu.memory_space<vmem>>, %arg10: memref<512xf32, #tpu.memory_space<vmem>>, %arg11: memref<512xf32, #tpu.memory_space<vmem>>, %arg12: memref<272xf32, #tpu.memory_space<vmem>>, %arg13: memref<272xf32, #tpu.memory_space<vmem>>, %arg14: memref<272xf32, #tpu.memory_space<vmem>>, %arg15: memref<272xf32, #tpu.memory_space<vmem>>, %arg16: memref<16xf32, #tpu.memory_space<vmem>>, %arg17: memref<16xf32, #tpu.memory_space<vmem>>, %arg18: memref<16xf32, #tpu.memory_space<vmem>>, %arg19: memref<16xf32, #tpu.memory_space<vmem>>, %arg20: memref<16xi32, #tpu.memory_space<vmem>>) attributes {dimension_semantics = [#tpu.dimension_semantics<core_parallel>, #tpu.dimension_semantics<subcore_parallel>], iteration_bounds = array<i64: 2, 16>, scalar_prefetch = 0 : i64, scratch_operands = 14 : i64, tpu.core_type = #tpu.core_type<sc_vector_subcore>, window_params = [{transform_indices = #map}, {transform_indices = #map}, {transform_indices = #map}, {transform_indices = #map}, {transform_indices = #map1}]} {
    %mul3A = arith.constant 2 : i32
    %mul3A_0 = arith.muli %arg1, %mul3A : i32
    %add3A = arith.addi %mul3A_0, %arg0 : i32
    %mul3A_1 = arith.constant 512 : i32
    %mul3A_2 = arith.muli %add3A, %mul3A_1 : i32
    "tpu.region"() ({
      %run_scoped3A_344 = tpu.sem_alloc : memref<!tpu.dma_semaphore, #tpu.memory_space<semaphore_mem>>
      tpu.enqueue_dma source(%arg5 : memref<16xi32, #tpu.memory_space<hbm>>) target(%arg20 : memref<16xi32, #tpu.memory_space<vmem>>) target_semaphore(%run_scoped3A_344 : memref<!tpu.dma_semaphore, #tpu.memory_space<semaphore_mem>>)
      tpu.wait_dma2 semaphore(%run_scoped3A_344 : memref<!tpu.dma_semaphore, #tpu.memory_space<semaphore_mem>>) src(%arg5 : memref<16xi32, #tpu.memory_space<hbm>>) dst(%arg20 : memref<16xi32, #tpu.memory_space<vmem>>)
      tpu.yield
    }) : () -> ()
    %mul3A_3 = arith.constant 16 : i32
    %mul3A_4 = arith.muli %mul3A_2, %mul3A_3 : i32
    "tpu.region"() ({
      %run_scoped3A_344 = tpu.sem_alloc : memref<!tpu.dma_semaphore, #tpu.memory_space<semaphore_mem>>
      %dma_start3A = tpu.memref_slice %arg2[%mul3A_4] : memref<262144xf32, #tpu.memory_space<hbm>> -> memref<8192xf32, #tpu.memory_space<hbm>>
      %dma_start3A_345 = tpu.memref_slice %arg2[%mul3A_4] : memref<262144xf32, #tpu.memory_space<hbm>> -> memref<8192xf32, #tpu.memory_space<hbm>>
      tpu.enqueue_dma source(%dma_start3A_345 : memref<8192xf32, #tpu.memory_space<hbm>>) target(%arg7 : memref<8192xf32, #tpu.memory_space<vmem>>) target_semaphore(%run_scoped3A_344 : memref<!tpu.dma_semaphore, #tpu.memory_space<semaphore_mem>>)
      %dma_wait3A = tpu.memref_slice %arg2[%mul3A_4] : memref<262144xf32, #tpu.memory_space<hbm>> -> memref<8192xf32, #tpu.memory_space<hbm>>
      %dma_wait3A_346 = tpu.memref_slice %arg2[%mul3A_4] : memref<262144xf32, #tpu.memory_space<hbm>> -> memref<8192xf32, #tpu.memory_space<hbm>>
      tpu.wait_dma2 semaphore(%run_scoped3A_344 : memref<!tpu.dma_semaphore, #tpu.memory_space<semaphore_mem>>) src(%dma_wait3A_346 : memref<8192xf32, #tpu.memory_space<hbm>>) dst(%arg7 : memref<8192xf32, #tpu.memory_space<vmem>>)
      tpu.yield
    }) : () -> ()
    "tpu.region"() ({
      %run_scoped3A_344 = tpu.sem_alloc : memref<!tpu.dma_semaphore, #tpu.memory_space<semaphore_mem>>
      %dma_start3A = tpu.memref_slice %arg4[%mul3A_2] : memref<16384xf32, #tpu.memory_space<hbm>> -> memref<512xf32, #tpu.memory_space<hbm>>
      %dma_start3A_345 = tpu.memref_slice %arg4[%mul3A_2] : memref<16384xf32, #tpu.memory_space<hbm>> -> memref<512xf32, #tpu.memory_space<hbm>>
      tpu.enqueue_dma source(%dma_start3A_345 : memref<512xf32, #tpu.memory_space<hbm>>) target(%arg11 : memref<512xf32, #tpu.memory_space<vmem>>) target_semaphore(%run_scoped3A_344 : memref<!tpu.dma_semaphore, #tpu.memory_space<semaphore_mem>>)
      %dma_wait3A = tpu.memref_slice %arg4[%mul3A_2] : memref<16384xf32, #tpu.memory_space<hbm>> -> memref<512xf32, #tpu.memory_space<hbm>>
      %dma_wait3A_346 = tpu.memref_slice %arg4[%mul3A_2] : memref<16384xf32, #tpu.memory_space<hbm>> -> memref<512xf32, #tpu.memory_space<hbm>>
      tpu.wait_dma2 semaphore(%run_scoped3A_344 : memref<!tpu.dma_semaphore, #tpu.memory_space<semaphore_mem>>) src(%dma_wait3A_346 : memref<512xf32, #tpu.memory_space<hbm>>) dst(%arg11 : memref<512xf32, #tpu.memory_space<vmem>>)
      tpu.yield
    }) : () -> ()
    %iota3A = tpu.iota {dimensions = array<i32: 0>} : vector<16xi32>
    %broadcast_in_dim3A = arith.constant 0.000000e+00 : f32
    %broadcast_in_dim3A_5 = vector.broadcast %broadcast_in_dim3A : f32 to vector<16xf32>
    %broadcast_in_dim3A_6 = arith.constant 1.000000e+00 : f32
    %broadcast_in_dim3A_7 = vector.broadcast %broadcast_in_dim3A_6 : f32 to vector<16xf32>
    %swap3A = arith.constant 0 : index
    %swap3A_8 = tpu.vector_load %arg12[%swap3A] {strides = array<i32>} : memref<272xf32, #tpu.memory_space<vmem>>, vector<16xf32>,
    tpu.vector_store %arg12[%swap3A], %broadcast_in_dim3A_5 {strides = array<i32>} : memref<272xf32, #tpu.memory_space<vmem>>, vector<16xf32>,
    %swap3A_9 = arith.constant 0 : index
    %swap3A_10 = tpu.vector_load %arg13[%swap3A_9] {strides = array<i32>} : memref<272xf32, #tpu.memory_space<vmem>>, vector<16xf32>,
    tpu.vector_store %arg13[%swap3A_9], %broadcast_in_dim3A_5 {strides = array<i32>} : memref<272xf32, #tpu.memory_space<vmem>>, vector<16xf32>,
    %swap3A_11 = arith.constant 0 : index
    %swap3A_12 = tpu.vector_load %arg14[%swap3A_11] {strides = array<i32>} : memref<272xf32, #tpu.memory_space<vmem>>, vector<16xf32>,
    tpu.vector_store %arg14[%swap3A_11], %broadcast_in_dim3A_5 {strides = array<i32>} : memref<272xf32, #tpu.memory_space<vmem>>, vector<16xf32>,
    %swap3A_13 = arith.constant 0 : index
    %swap3A_14 = tpu.vector_load %arg15[%swap3A_13] {strides = array<i32>} : memref<272xf32, #tpu.memory_space<vmem>>, vector<16xf32>,
    tpu.vector_store %arg15[%swap3A_13], %broadcast_in_dim3A_5 {strides = array<i32>} : memref<272xf32, #tpu.memory_space<vmem>>, vector<16xf32>,
    %swap3A_15 = arith.constant 16 : index
    %swap3A_16 = tpu.vector_load %arg12[%swap3A_15] {strides = array<i32>} : memref<272xf32, #tpu.memory_space<vmem>>, vector<16xf32>,
    tpu.vector_store %arg12[%swap3A_15], %broadcast_in_dim3A_5 {strides = array<i32>} : memref<272xf32, #tpu.memory_space<vmem>>, vector<16xf32>,
    %swap3A_17 = arith.constant 16 : index
    %swap3A_18 = tpu.vector_load %arg13[%swap3A_17] {strides = array<i32>} : memref<272xf32, #tpu.memory_space<vmem>>, vector<16xf32>,
    tpu.vector_store %arg13[%swap3A_17], %broadcast_in_dim3A_5 {strides = array<i32>} : memref<272xf32, #tpu.memory_space<vmem>>, vector<16xf32>,
    %swap3A_19 = arith.constant 16 : index
    %swap3A_20 = tpu.vector_load %arg14[%swap3A_19] {strides = array<i32>} : memref<272xf32, #tpu.memory_space<vmem>>, vector<16xf32>,
    tpu.vector_store %arg14[%swap3A_19], %broadcast_in_dim3A_5 {strides = array<i32>} : memref<272xf32, #tpu.memory_space<vmem>>, vector<16xf32>,
    %swap3A_21 = arith.constant 16 : index
    %swap3A_22 = tpu.vector_load %arg15[%swap3A_21] {strides = array<i32>} : memref<272xf32, #tpu.memory_space<vmem>>, vector<16xf32>,
    tpu.vector_store %arg15[%swap3A_21], %broadcast_in_dim3A_5 {strides = array<i32>} : memref<272xf32, #tpu.memory_space<vmem>>, vector<16xf32>,
    %swap3A_23 = arith.constant 32 : index
    %swap3A_24 = tpu.vector_load %arg12[%swap3A_23] {strides = array<i32>} : memref<272xf32, #tpu.memory_space<vmem>>, vector<16xf32>,
    tpu.vector_store %arg12[%swap3A_23], %broadcast_in_dim3A_5 {strides = array<i32>} : memref<272xf32, #tpu.memory_space<vmem>>, vector<16xf32>,
    %swap3A_25 = arith.constant 32 : index
    %swap3A_26 = tpu.vector_load %arg13[%swap3A_25] {strides = array<i32>} : memref<272xf32, #tpu.memory_space<vmem>>, vector<16xf32>,
    tpu.vector_store %arg13[%swap3A_25], %broadcast_in_dim3A_5 {strides = array<i32>} : memref<272xf32, #tpu.memory_space<vmem>>, vector<16xf32>,
    %swap3A_27 = arith.constant 32 : index
    %swap3A_28 = tpu.vector_load %arg14[%swap3A_27] {strides = array<i32>} : memref<272xf32, #tpu.memory_space<vmem>>, vector<16xf32>,
    tpu.vector_store %arg14[%swap3A_27], %broadcast_in_dim3A_5 {strides = array<i32>} : memref<272xf32, #tpu.memory_space<vmem>>, vector<16xf32>,
    %swap3A_29 = arith.constant 32 : index
    %swap3A_30 = tpu.vector_load %arg15[%swap3A_29] {strides = array<i32>} : memref<272xf32, #tpu.memory_space<vmem>>, vector<16xf32>,
    tpu.vector_store %arg15[%swap3A_29], %broadcast_in_dim3A_5 {strides = array<i32>} : memref<272xf32, #tpu.memory_space<vmem>>, vector<16xf32>,
    %swap3A_31 = arith.constant 48 : index
    %swap3A_32 = tpu.vector_load %arg12[%swap3A_31] {strides = array<i32>} : memref<272xf32, #tpu.memory_space<vmem>>, vector<16xf32>,
    tpu.vector_store %arg12[%swap3A_31], %broadcast_in_dim3A_5 {strides = array<i32>} : memref<272xf32, #tpu.memory_space<vmem>>, vector<16xf32>,
    %swap3A_33 = arith.constant 48 : index
    %swap3A_34 = tpu.vector_load %arg13[%swap3A_33] {strides = array<i32>} : memref<272xf32, #tpu.memory_space<vmem>>, vector<16xf32>,
    tpu.vector_store %arg13[%swap3A_33], %broadcast_in_dim3A_5 {strides = array<i32>} : memref<272xf32, #tpu.memory_space<vmem>>, vector<16xf32>,
    %swap3A_35 = arith.constant 48 : index
    %swap3A_36 = tpu.vector_load %arg14[%swap3A_35] {strides = array<i32>} : memref<272xf32, #tpu.memory_space<vmem>>, vector<16xf32>,
    tpu.vector_store %arg14[%swap3A_35], %broadcast_in_dim3A_5 {strides = array<i32>} : memref<272xf32, #tpu.memory_space<vmem>>, vector<16xf32>,
    %swap3A_37 = arith.constant 48 : index
    %swap3A_38 = tpu.vector_load %arg15[%swap3A_37] {strides = array<i32>} : memref<272xf32, #tpu.memory_space<vmem>>, vector<16xf32>,
    tpu.vector_store %arg15[%swap3A_37], %broadcast_in_dim3A_5 {strides = array<i32>} : memref<272xf32, #tpu.memory_space<vmem>>, vector<16xf32>,
    %swap3A_39 = arith.constant 64 : index
    %swap3A_40 = tpu.vector_load %arg12[%swap3A_39] {strides = array<i32>} : memref<272xf32, #tpu.memory_space<vmem>>, vector<16xf32>,
    tpu.vector_store %arg12[%swap3A_39], %broadcast_in_dim3A_5 {strides = array<i32>} : memref<272xf32, #tpu.memory_space<vmem>>, vector<16xf32>,
    %swap3A_41 = arith.constant 64 : index
    %swap3A_42 = tpu.vector_load %arg13[%swap3A_41] {strides = array<i32>} : memref<272xf32, #tpu.memory_space<vmem>>, vector<16xf32>,
    tpu.vector_store %arg13[%swap3A_41], %broadcast_in_dim3A_5 {strides = array<i32>} : memref<272xf32, #tpu.memory_space<vmem>>, vector<16xf32>,
    %swap3A_43 = arith.constant 64 : index
    %swap3A_44 = tpu.vector_load %arg14[%swap3A_43] {strides = array<i32>} : memref<272xf32, #tpu.memory_space<vmem>>, vector<16xf32>,
    tpu.vector_store %arg14[%swap3A_43], %broadcast_in_dim3A_5 {strides = array<i32>} : memref<272xf32, #tpu.memory_space<vmem>>, vector<16xf32>,
    %swap3A_45 = arith.constant 64 : index
    %swap3A_46 = tpu.vector_load %arg15[%swap3A_45] {strides = array<i32>} : memref<272xf32, #tpu.memory_space<vmem>>, vector<16xf32>,
    tpu.vector_store %arg15[%swap3A_45], %broadcast_in_dim3A_5 {strides = array<i32>} : memref<272xf32, #tpu.memory_space<vmem>>, vector<16xf32>,
    %swap3A_47 = arith.constant 80 : index
    %swap3A_48 = tpu.vector_load %arg12[%swap3A_47] {strides = array<i32>} : memref<272xf32, #tpu.memory_space<vmem>>, vector<16xf32>,
    tpu.vector_store %arg12[%swap3A_47], %broadcast_in_dim3A_5 {strides = array<i32>} : memref<272xf32, #tpu.memory_space<vmem>>, vector<16xf32>,
    %swap3A_49 = arith.constant 80 : index
    %swap3A_50 = tpu.vector_load %arg13[%swap3A_49] {strides = array<i32>} : memref<272xf32, #tpu.memory_space<vmem>>, vector<16xf32>,
    tpu.vector_store %arg13[%swap3A_49], %broadcast_in_dim3A_5 {strides = array<i32>} : memref<272xf32, #tpu.memory_space<vmem>>, vector<16xf32>,
    %swap3A_51 = arith.constant 80 : index
    %swap3A_52 = tpu.vector_load %arg14[%swap3A_51] {strides = array<i32>} : memref<272xf32, #tpu.memory_space<vmem>>, vector<16xf32>,
    tpu.vector_store %arg14[%swap3A_51], %broadcast_in_dim3A_5 {strides = array<i32>} : memref<272xf32, #tpu.memory_space<vmem>>, vector<16xf32>,
    %swap3A_53 = arith.constant 80 : index
    %swap3A_54 = tpu.vector_load %arg15[%swap3A_53] {strides = array<i32>} : memref<272xf32, #tpu.memory_space<vmem>>, vector<16xf32>,
    tpu.vector_store %arg15[%swap3A_53], %broadcast_in_dim3A_5 {strides = array<i32>} : memref<272xf32, #tpu.memory_space<vmem>>, vector<16xf32>,
    %swap3A_55 = arith.constant 96 : index
    %swap3A_56 = tpu.vector_load %arg12[%swap3A_55] {strides = array<i32>} : memref<272xf32, #tpu.memory_space<vmem>>, vector<16xf32>,
    tpu.vector_store %arg12[%swap3A_55], %broadcast_in_dim3A_5 {strides = array<i32>} : memref<272xf32, #tpu.memory_space<vmem>>, vector<16xf32>,
    %swap3A_57 = arith.constant 96 : index
    %swap3A_58 = tpu.vector_load %arg13[%swap3A_57] {strides = array<i32>} : memref<272xf32, #tpu.memory_space<vmem>>, vector<16xf32>,
    tpu.vector_store %arg13[%swap3A_57], %broadcast_in_dim3A_5 {strides = array<i32>} : memref<272xf32, #tpu.memory_space<vmem>>, vector<16xf32>,
    %swap3A_59 = arith.constant 96 : index
    %swap3A_60 = tpu.vector_load %arg14[%swap3A_59] {strides = array<i32>} : memref<272xf32, #tpu.memory_space<vmem>>, vector<16xf32>,
    tpu.vector_store %arg14[%swap3A_59], %broadcast_in_dim3A_5 {strides = array<i32>} : memref<272xf32, #tpu.memory_space<vmem>>, vector<16xf32>,
    %swap3A_61 = arith.constant 96 : index
    %swap3A_62 = tpu.vector_load %arg15[%swap3A_61] {strides = array<i32>} : memref<272xf32, #tpu.memory_space<vmem>>, vector<16xf32>,
    tpu.vector_store %arg15[%swap3A_61], %broadcast_in_dim3A_5 {strides = array<i32>} : memref<272xf32, #tpu.memory_space<vmem>>, vector<16xf32>,
    %swap3A_63 = arith.constant 112 : index
    %swap3A_64 = tpu.vector_load %arg12[%swap3A_63] {strides = array<i32>} : memref<272xf32, #tpu.memory_space<vmem>>, vector<16xf32>,
    tpu.vector_store %arg12[%swap3A_63], %broadcast_in_dim3A_5 {strides = array<i32>} : memref<272xf32, #tpu.memory_space<vmem>>, vector<16xf32>,
    %swap3A_65 = arith.constant 112 : index
    %swap3A_66 = tpu.vector_load %arg13[%swap3A_65] {strides = array<i32>} : memref<272xf32, #tpu.memory_space<vmem>>, vector<16xf32>,
    tpu.vector_store %arg13[%swap3A_65], %broadcast_in_dim3A_5 {strides = array<i32>} : memref<272xf32, #tpu.memory_space<vmem>>, vector<16xf32>,
    %swap3A_67 = arith.constant 112 : index
    %swap3A_68 = tpu.vector_load %arg14[%swap3A_67] {strides = array<i32>} : memref<272xf32, #tpu.memory_space<vmem>>, vector<16xf32>,
    tpu.vector_store %arg14[%swap3A_67], %broadcast_in_dim3A_5 {strides = array<i32>} : memref<272xf32, #tpu.memory_space<vmem>>, vector<16xf32>,
    %swap3A_69 = arith.constant 112 : index
    %swap3A_70 = tpu.vector_load %arg15[%swap3A_69] {strides = array<i32>} : memref<272xf32, #tpu.memory_space<vmem>>, vector<16xf32>,
    tpu.vector_store %arg15[%swap3A_69], %broadcast_in_dim3A_5 {strides = array<i32>} : memref<272xf32, #tpu.memory_space<vmem>>, vector<16xf32>,
    %swap3A_71 = arith.constant 128 : index
    %swap3A_72 = tpu.vector_load %arg12[%swap3A_71] {strides = array<i32>} : memref<272xf32, #tpu.memory_space<vmem>>, vector<16xf32>,
    tpu.vector_store %arg12[%swap3A_71], %broadcast_in_dim3A_5 {strides = array<i32>} : memref<272xf32, #tpu.memory_space<vmem>>, vector<16xf32>,
    %swap3A_73 = arith.constant 128 : index
    %swap3A_74 = tpu.vector_load %arg13[%swap3A_73] {strides = array<i32>} : memref<272xf32, #tpu.memory_space<vmem>>, vector<16xf32>,
    tpu.vector_store %arg13[%swap3A_73], %broadcast_in_dim3A_5 {strides = array<i32>} : memref<272xf32, #tpu.memory_space<vmem>>, vector<16xf32>,
    %swap3A_75 = arith.constant 128 : index
    %swap3A_76 = tpu.vector_load %arg14[%swap3A_75] {strides = array<i32>} : memref<272xf32, #tpu.memory_space<vmem>>, vector<16xf32>,
    tpu.vector_store %arg14[%swap3A_75], %broadcast_in_dim3A_5 {strides = array<i32>} : memref<272xf32, #tpu.memory_space<vmem>>, vector<16xf32>,
    %swap3A_77 = arith.constant 128 : index
    %swap3A_78 = tpu.vector_load %arg15[%swap3A_77] {strides = array<i32>} : memref<272xf32, #tpu.memory_space<vmem>>, vector<16xf32>,
    tpu.vector_store %arg15[%swap3A_77], %broadcast_in_dim3A_5 {strides = array<i32>} : memref<272xf32, #tpu.memory_space<vmem>>, vector<16xf32>,
    %swap3A_79 = arith.constant 144 : index
    %swap3A_80 = tpu.vector_load %arg12[%swap3A_79] {strides = array<i32>} : memref<272xf32, #tpu.memory_space<vmem>>, vector<16xf32>,
    tpu.vector_store %arg12[%swap3A_79], %broadcast_in_dim3A_5 {strides = array<i32>} : memref<272xf32, #tpu.memory_space<vmem>>, vector<16xf32>,
    %swap3A_81 = arith.constant 144 : index
    %swap3A_82 = tpu.vector_load %arg13[%swap3A_81] {strides = array<i32>} : memref<272xf32, #tpu.memory_space<vmem>>, vector<16xf32>,
    tpu.vector_store %arg13[%swap3A_81], %broadcast_in_dim3A_5 {strides = array<i32>} : memref<272xf32, #tpu.memory_space<vmem>>, vector<16xf32>,
    %swap3A_83 = arith.constant 144 : index
    %swap3A_84 = tpu.vector_load %arg14[%swap3A_83] {strides = array<i32>} : memref<272xf32, #tpu.memory_space<vmem>>, vector<16xf32>,
    tpu.vector_store %arg14[%swap3A_83], %broadcast_in_dim3A_5 {strides = array<i32>} : memref<272xf32, #tpu.memory_space<vmem>>, vector<16xf32>,
    %swap3A_85 = arith.constant 144 : index
    %swap3A_86 = tpu.vector_load %arg15[%swap3A_85] {strides = array<i32>} : memref<272xf32, #tpu.memory_space<vmem>>, vector<16xf32>,
    tpu.vector_store %arg15[%swap3A_85], %broadcast_in_dim3A_5 {strides = array<i32>} : memref<272xf32, #tpu.memory_space<vmem>>, vector<16xf32>,
    %swap3A_87 = arith.constant 160 : index
    %swap3A_88 = tpu.vector_load %arg12[%swap3A_87] {strides = array<i32>} : memref<272xf32, #tpu.memory_space<vmem>>, vector<16xf32>,
    tpu.vector_store %arg12[%swap3A_87], %broadcast_in_dim3A_5 {strides = array<i32>} : memref<272xf32, #tpu.memory_space<vmem>>, vector<16xf32>,
    %swap3A_89 = arith.constant 160 : index
    %swap3A_90 = tpu.vector_load %arg13[%swap3A_89] {strides = array<i32>} : memref<272xf32, #tpu.memory_space<vmem>>, vector<16xf32>,
    tpu.vector_store %arg13[%swap3A_89], %broadcast_in_dim3A_5 {strides = array<i32>} : memref<272xf32, #tpu.memory_space<vmem>>, vector<16xf32>,
    %swap3A_91 = arith.constant 160 : index
    %swap3A_92 = tpu.vector_load %arg14[%swap3A_91] {strides = array<i32>} : memref<272xf32, #tpu.memory_space<vmem>>, vector<16xf32>,
    tpu.vector_store %arg14[%swap3A_91], %broadcast_in_dim3A_5 {strides = array<i32>} : memref<272xf32, #tpu.memory_space<vmem>>, vector<16xf32>,
    %swap3A_93 = arith.constant 160 : index
    %swap3A_94 = tpu.vector_load %arg15[%swap3A_93] {strides = array<i32>} : memref<272xf32, #tpu.memory_space<vmem>>, vector<16xf32>,
    tpu.vector_store %arg15[%swap3A_93], %broadcast_in_dim3A_5 {strides = array<i32>} : memref<272xf32, #tpu.memory_space<vmem>>, vector<16xf32>,
    %swap3A_95 = arith.constant 176 : index
    %swap3A_96 = tpu.vector_load %arg12[%swap3A_95] {strides = array<i32>} : memref<272xf32, #tpu.memory_space<vmem>>, vector<16xf32>,
    tpu.vector_store %arg12[%swap3A_95], %broadcast_in_dim3A_5 {strides = array<i32>} : memref<272xf32, #tpu.memory_space<vmem>>, vector<16xf32>,
    %swap3A_97 = arith.constant 176 : index
    %swap3A_98 = tpu.vector_load %arg13[%swap3A_97] {strides = array<i32>} : memref<272xf32, #tpu.memory_space<vmem>>, vector<16xf32>,
    tpu.vector_store %arg13[%swap3A_97], %broadcast_in_dim3A_5 {strides = array<i32>} : memref<272xf32, #tpu.memory_space<vmem>>, vector<16xf32>,
    %swap3A_99 = arith.constant 176 : index
    %swap3A_100 = tpu.vector_load %arg14[%swap3A_99] {strides = array<i32>} : memref<272xf32, #tpu.memory_space<vmem>>, vector<16xf32>,
    tpu.vector_store %arg14[%swap3A_99], %broadcast_in_dim3A_5 {strides = array<i32>} : memref<272xf32, #tpu.memory_space<vmem>>, vector<16xf32>,
    %swap3A_101 = arith.constant 176 : index
    %swap3A_102 = tpu.vector_load %arg15[%swap3A_101] {strides = array<i32>} : memref<272xf32, #tpu.memory_space<vmem>>, vector<16xf32>,
    tpu.vector_store %arg15[%swap3A_101], %broadcast_in_dim3A_5 {strides = array<i32>} : memref<272xf32, #tpu.memory_space<vmem>>, vector<16xf32>,
    %swap3A_103 = arith.constant 192 : index
    %swap3A_104 = tpu.vector_load %arg12[%swap3A_103] {strides = array<i32>} : memref<272xf32, #tpu.memory_space<vmem>>, vector<16xf32>,
    tpu.vector_store %arg12[%swap3A_103], %broadcast_in_dim3A_5 {strides = array<i32>} : memref<272xf32, #tpu.memory_space<vmem>>, vector<16xf32>,
    %swap3A_105 = arith.constant 192 : index
    %swap3A_106 = tpu.vector_load %arg13[%swap3A_105] {strides = array<i32>} : memref<272xf32, #tpu.memory_space<vmem>>, vector<16xf32>,
    tpu.vector_store %arg13[%swap3A_105], %broadcast_in_dim3A_5 {strides = array<i32>} : memref<272xf32, #tpu.memory_space<vmem>>, vector<16xf32>,
    %swap3A_107 = arith.constant 192 : index
    %swap3A_108 = tpu.vector_load %arg14[%swap3A_107] {strides = array<i32>} : memref<272xf32, #tpu.memory_space<vmem>>, vector<16xf32>,
    tpu.vector_store %arg14[%swap3A_107], %broadcast_in_dim3A_5 {strides = array<i32>} : memref<272xf32, #tpu.memory_space<vmem>>, vector<16xf32>,
    %swap3A_109 = arith.constant 192 : index
    %swap3A_110 = tpu.vector_load %arg15[%swap3A_109] {strides = array<i32>} : memref<272xf32, #tpu.memory_space<vmem>>, vector<16xf32>,
    tpu.vector_store %arg15[%swap3A_109], %broadcast_in_dim3A_5 {strides = array<i32>} : memref<272xf32, #tpu.memory_space<vmem>>, vector<16xf32>,
    %swap3A_111 = arith.constant 208 : index
    %swap3A_112 = tpu.vector_load %arg12[%swap3A_111] {strides = array<i32>} : memref<272xf32, #tpu.memory_space<vmem>>, vector<16xf32>,
    tpu.vector_store %arg12[%swap3A_111], %broadcast_in_dim3A_5 {strides = array<i32>} : memref<272xf32, #tpu.memory_space<vmem>>, vector<16xf32>,
    %swap3A_113 = arith.constant 208 : index
    %swap3A_114 = tpu.vector_load %arg13[%swap3A_113] {strides = array<i32>} : memref<272xf32, #tpu.memory_space<vmem>>, vector<16xf32>,
    tpu.vector_store %arg13[%swap3A_113], %broadcast_in_dim3A_5 {strides = array<i32>} : memref<272xf32, #tpu.memory_space<vmem>>, vector<16xf32>,
    %swap3A_115 = arith.constant 208 : index
    %swap3A_116 = tpu.vector_load %arg14[%swap3A_115] {strides = array<i32>} : memref<272xf32, #tpu.memory_space<vmem>>, vector<16xf32>,
    tpu.vector_store %arg14[%swap3A_115], %broadcast_in_dim3A_5 {strides = array<i32>} : memref<272xf32, #tpu.memory_space<vmem>>, vector<16xf32>,
    %swap3A_117 = arith.constant 208 : index
    %swap3A_118 = tpu.vector_load %arg15[%swap3A_117] {strides = array<i32>} : memref<272xf32, #tpu.memory_space<vmem>>, vector<16xf32>,
    tpu.vector_store %arg15[%swap3A_117], %broadcast_in_dim3A_5 {strides = array<i32>} : memref<272xf32, #tpu.memory_space<vmem>>, vector<16xf32>,
    %swap3A_119 = arith.constant 224 : index
    %swap3A_120 = tpu.vector_load %arg12[%swap3A_119] {strides = array<i32>} : memref<272xf32, #tpu.memory_space<vmem>>, vector<16xf32>,
    tpu.vector_store %arg12[%swap3A_119], %broadcast_in_dim3A_5 {strides = array<i32>} : memref<272xf32, #tpu.memory_space<vmem>>, vector<16xf32>,
    %swap3A_121 = arith.constant 224 : index
    %swap3A_122 = tpu.vector_load %arg13[%swap3A_121] {strides = array<i32>} : memref<272xf32, #tpu.memory_space<vmem>>, vector<16xf32>,
    tpu.vector_store %arg13[%swap3A_121], %broadcast_in_dim3A_5 {strides = array<i32>} : memref<272xf32, #tpu.memory_space<vmem>>, vector<16xf32>,
    %swap3A_123 = arith.constant 224 : index
    %swap3A_124 = tpu.vector_load %arg14[%swap3A_123] {strides = array<i32>} : memref<272xf32, #tpu.memory_space<vmem>>, vector<16xf32>,
    tpu.vector_store %arg14[%swap3A_123], %broadcast_in_dim3A_5 {strides = array<i32>} : memref<272xf32, #tpu.memory_space<vmem>>, vector<16xf32>,
    %swap3A_125 = arith.constant 224 : index
    %swap3A_126 = tpu.vector_load %arg15[%swap3A_125] {strides = array<i32>} : memref<272xf32, #tpu.memory_space<vmem>>, vector<16xf32>,
    tpu.vector_store %arg15[%swap3A_125], %broadcast_in_dim3A_5 {strides = array<i32>} : memref<272xf32, #tpu.memory_space<vmem>>, vector<16xf32>,
    %swap3A_127 = arith.constant 240 : index
    %swap3A_128 = tpu.vector_load %arg12[%swap3A_127] {strides = array<i32>} : memref<272xf32, #tpu.memory_space<vmem>>, vector<16xf32>,
    tpu.vector_store %arg12[%swap3A_127], %broadcast_in_dim3A_5 {strides = array<i32>} : memref<272xf32, #tpu.memory_space<vmem>>, vector<16xf32>,
    %swap3A_129 = arith.constant 240 : index
    %swap3A_130 = tpu.vector_load %arg13[%swap3A_129] {strides = array<i32>} : memref<272xf32, #tpu.memory_space<vmem>>, vector<16xf32>,
    tpu.vector_store %arg13[%swap3A_129], %broadcast_in_dim3A_5 {strides = array<i32>} : memref<272xf32, #tpu.memory_space<vmem>>, vector<16xf32>,
    %swap3A_131 = arith.constant 240 : index
    %swap3A_132 = tpu.vector_load %arg14[%swap3A_131] {strides = array<i32>} : memref<272xf32, #tpu.memory_space<vmem>>, vector<16xf32>,
    tpu.vector_store %arg14[%swap3A_131], %broadcast_in_dim3A_5 {strides = array<i32>} : memref<272xf32, #tpu.memory_space<vmem>>, vector<16xf32>,
    %swap3A_133 = arith.constant 240 : index
    %swap3A_134 = tpu.vector_load %arg15[%swap3A_133] {strides = array<i32>} : memref<272xf32, #tpu.memory_space<vmem>>, vector<16xf32>,
    tpu.vector_store %arg15[%swap3A_133], %broadcast_in_dim3A_5 {strides = array<i32>} : memref<272xf32, #tpu.memory_space<vmem>>, vector<16xf32>,
    %swap3A_135 = arith.constant 256 : index
    %swap3A_136 = tpu.vector_load %arg12[%swap3A_135] {strides = array<i32>} : memref<272xf32, #tpu.memory_space<vmem>>, vector<16xf32>,
    tpu.vector_store %arg12[%swap3A_135], %broadcast_in_dim3A_5 {strides = array<i32>} : memref<272xf32, #tpu.memory_space<vmem>>, vector<16xf32>,
    %swap3A_137 = arith.constant 256 : index
    %swap3A_138 = tpu.vector_load %arg13[%swap3A_137] {strides = array<i32>} : memref<272xf32, #tpu.memory_space<vmem>>, vector<16xf32>,
    tpu.vector_store %arg13[%swap3A_137], %broadcast_in_dim3A_5 {strides = array<i32>} : memref<272xf32, #tpu.memory_space<vmem>>, vector<16xf32>,
    %swap3A_139 = arith.constant 256 : index
    %swap3A_140 = tpu.vector_load %arg14[%swap3A_139] {strides = array<i32>} : memref<272xf32, #tpu.memory_space<vmem>>, vector<16xf32>,
    tpu.vector_store %arg14[%swap3A_139], %broadcast_in_dim3A_5 {strides = array<i32>} : memref<272xf32, #tpu.memory_space<vmem>>, vector<16xf32>,
    %swap3A_141 = arith.constant 256 : index
    %swap3A_142 = tpu.vector_load %arg15[%swap3A_141] {strides = array<i32>} : memref<272xf32, #tpu.memory_space<vmem>>, vector<16xf32>,
    tpu.vector_store %arg15[%swap3A_141], %broadcast_in_dim3A_5 {strides = array<i32>} : memref<272xf32, #tpu.memory_space<vmem>>, vector<16xf32>,
    %scan3A = arith.constant 0 : i32
    %scan3A_143 = arith.constant 512 : i32
    %scan3A_144 = arith.addi %scan3A, %scan3A_143 : i32
    %scan3A_145 = arith.constant 1 : i32
    scf.for %scan3A_344 = %scan3A to %scan3A_144 step %scan3A_145  : i32 {
      %mul3A_345 = arith.constant 1 : i32
      %mul3A_346 = arith.muli %scan3A_344, %mul3A_345 : i32
      %add3A_347 = arith.constant 0 : i32
      %add3A_348 = arith.addi %add3A_347, %mul3A_346 : i32
      %mul3A_349 = arith.constant 16 : i32
      %mul3A_350 = arith.muli %add3A_348, %mul3A_349 : i32
      %get3A_351 = arith.index_cast %mul3A_350 : i32 to index
      %get3A_352 = tpu.vector_load %arg7[%get3A_351] {strides = array<i32>} : memref<8192xf32, #tpu.memory_space<vmem>>, vector<16xf32>,
      %mul3A_353 = arith.constant 17 : i32
      %mul3A_354 = arith.muli %add3A_348, %mul3A_353 : i32
      %add3A_355 = vector.broadcast %mul3A_354 : i32 to vector<16xi32>
      %add3A_356 = arith.addi %add3A_355, %iota3A : vector<16xi32>
      tpu.vector_store_idx %arg8[%add3A_356], %get3A_352 : memref<8704xf32, #tpu.memory_space<vmem>>[vector<16xi32>], vector<16xf32>,
    }
    %scan3A_146 = arith.constant 512 : i32
    %scan3A_147 = arith.constant 0 : i32
    %scan3A_148 = arith.constant 32 : i32
    %scan3A_149 = arith.addi %scan3A_147, %scan3A_148 : i32
    %scan3A_150 = arith.constant 1 : i32
    scf.for %scan3A_344 = %scan3A_147 to %scan3A_149 step %scan3A_150  : i32 {
      %mul3A_345 = arith.constant 1 : i32
      %mul3A_346 = arith.muli %scan3A_344, %mul3A_345 : i32
      %add3A_347 = arith.constant 0 : i32
      %add3A_348 = arith.addi %add3A_347, %mul3A_346 : i32
      %mul3A_349 = arith.constant 16 : i32
      %mul3A_350 = arith.muli %add3A_348, %mul3A_349 : i32
      %add3A_351 = vector.broadcast %mul3A_350 : i32 to vector<16xi32>
      %add3A_352 = arith.addi %add3A_351, %iota3A : vector<16xi32>
      %mul3A_353 = arith.constant 17 : i32
      %mul3A_354 = vector.broadcast %mul3A_353 : i32 to vector<16xi32>
      %mul3A_355 = arith.muli %add3A_352, %mul3A_354 : vector<16xi32>
      %gather3A_356 = tpu.vector_load_idx %arg8[%mul3A_355] : memref<8704xf32, #tpu.memory_space<vmem>>[vector<16xi32>], vector<16xf32>,
      %broadcast_in_dim3A_357 = arith.constant 0 : i32
      %broadcast_in_dim3A_358 = vector.broadcast %broadcast_in_dim3A_357 : i32 to vector<16xi32>
      %add3A_359 = arith.constant 1 : i32
      %add3A_360 = vector.broadcast %add3A_359 : i32 to vector<16xi32>
      %add3A_361 = arith.addi %mul3A_355, %add3A_360 : vector<16xi32>
      %gather3A_362 = tpu.vector_load_idx %arg8[%add3A_361] : memref<8704xf32, #tpu.memory_space<vmem>>[vector<16xi32>], vector<16xf32>,
      %gt3A = arith.cmpf ogt, %gather3A_362, %gather3A_356 : vector<16xf32>
      %select_n3A = arith.select %gt3A, %gather3A_362, %gather3A_356 : vector<16xi1>, vector<16xf32>
      %jit3A = arith.constant 1 : i32
      %broadcast_in_dim3A_363 = vector.broadcast %jit3A : i32 to vector<16xi32>
      %select_n3A_364 = arith.select %gt3A, %broadcast_in_dim3A_363, %broadcast_in_dim3A_358 : vector<16xi1>, vector<16xi32>
      %add3A_365 = arith.constant 2 : i32
      %add3A_366 = vector.broadcast %add3A_365 : i32 to vector<16xi32>
      %add3A_367 = arith.addi %mul3A_355, %add3A_366 : vector<16xi32>
      %gather3A_368 = tpu.vector_load_idx %arg8[%add3A_367] : memref<8704xf32, #tpu.memory_space<vmem>>[vector<16xi32>], vector<16xf32>,
      %gt3A_369 = arith.cmpf ogt, %gather3A_368, %select_n3A : vector<16xf32>
      %select_n3A_370 = arith.select %gt3A_369, %gather3A_368, %select_n3A : vector<16xi1>, vector<16xf32>
      %jit3A_371 = arith.constant 2 : i32
      %broadcast_in_dim3A_372 = vector.broadcast %jit3A_371 : i32 to vector<16xi32>
      %select_n3A_373 = arith.select %gt3A_369, %broadcast_in_dim3A_372, %select_n3A_364 : vector<16xi1>, vector<16xi32>
      %add3A_374 = arith.constant 3 : i32
      %add3A_375 = vector.broadcast %add3A_374 : i32 to vector<16xi32>
      %add3A_376 = arith.addi %mul3A_355, %add3A_375 : vector<16xi32>
      %gather3A_377 = tpu.vector_load_idx %arg8[%add3A_376] : memref<8704xf32, #tpu.memory_space<vmem>>[vector<16xi32>], vector<16xf32>,
      %gt3A_378 = arith.cmpf ogt, %gather3A_377, %select_n3A_370 : vector<16xf32>
      %select_n3A_379 = arith.select %gt3A_378, %gather3A_377, %select_n3A_370 : vector<16xi1>, vector<16xf32>
      %jit3A_380 = arith.constant 3 : i32
      %broadcast_in_dim3A_381 = vector.broadcast %jit3A_380 : i32 to vector<16xi32>
      %select_n3A_382 = arith.select %gt3A_378, %broadcast_in_dim3A_381, %select_n3A_373 : vector<16xi1>, vector<16xi32>
      %add3A_383 = arith.constant 4 : i32
      %add3A_384 = vector.broadcast %add3A_383 : i32 to vector<16xi32>
      %add3A_385 = arith.addi %mul3A_355, %add3A_384 : vector<16xi32>
      %gather3A_386 = tpu.vector_load_idx %arg8[%add3A_385] : memref<8704xf32, #tpu.memory_space<vmem>>[vector<16xi32>], vector<16xf32>,
      %gt3A_387 = arith.cmpf ogt, %gather3A_386, %select_n3A_379 : vector<16xf32>
      %select_n3A_388 = arith.select %gt3A_387, %gather3A_386, %select_n3A_379 : vector<16xi1>, vector<16xf32>
      %jit3A_389 = arith.constant 4 : i32
      %broadcast_in_dim3A_390 = vector.broadcast %jit3A_389 : i32 to vector<16xi32>
      %select_n3A_391 = arith.select %gt3A_387, %broadcast_in_dim3A_390, %select_n3A_382 : vector<16xi1>, vector<16xi32>
      %add3A_392 = arith.constant 5 : i32
      %add3A_393 = vector.broadcast %add3A_392 : i32 to vector<16xi32>
      %add3A_394 = arith.addi %mul3A_355, %add3A_393 : vector<16xi32>
      %gather3A_395 = tpu.vector_load_idx %arg8[%add3A_394] : memref<8704xf32, #tpu.memory_space<vmem>>[vector<16xi32>], vector<16xf32>,
      %gt3A_396 = arith.cmpf ogt, %gather3A_395, %select_n3A_388 : vector<16xf32>
      %select_n3A_397 = arith.select %gt3A_396, %gather3A_395, %select_n3A_388 : vector<16xi1>, vector<16xf32>
      %jit3A_398 = arith.constant 5 : i32
      %broadcast_in_dim3A_399 = vector.broadcast %jit3A_398 : i32 to vector<16xi32>
      %select_n3A_400 = arith.select %gt3A_396, %broadcast_in_dim3A_399, %select_n3A_391 : vector<16xi1>, vector<16xi32>
      %add3A_401 = arith.constant 6 : i32
      %add3A_402 = vector.broadcast %add3A_401 : i32 to vector<16xi32>
      %add3A_403 = arith.addi %mul3A_355, %add3A_402 : vector<16xi32>
      %gather3A_404 = tpu.vector_load_idx %arg8[%add3A_403] : memref<8704xf32, #tpu.memory_space<vmem>>[vector<16xi32>], vector<16xf32>,
      %gt3A_405 = arith.cmpf ogt, %gather3A_404, %select_n3A_397 : vector<16xf32>
      %select_n3A_406 = arith.select %gt3A_405, %gather3A_404, %select_n3A_397 : vector<16xi1>, vector<16xf32>
      %jit3A_407 = arith.constant 6 : i32
      %broadcast_in_dim3A_408 = vector.broadcast %jit3A_407 : i32 to vector<16xi32>
      %select_n3A_409 = arith.select %gt3A_405, %broadcast_in_dim3A_408, %select_n3A_400 : vector<16xi1>, vector<16xi32>
      %add3A_410 = arith.constant 7 : i32
      %add3A_411 = vector.broadcast %add3A_410 : i32 to vector<16xi32>
      %add3A_412 = arith.addi %mul3A_355, %add3A_411 : vector<16xi32>
      %gather3A_413 = tpu.vector_load_idx %arg8[%add3A_412] : memref<8704xf32, #tpu.memory_space<vmem>>[vector<16xi32>], vector<16xf32>,
      %gt3A_414 = arith.cmpf ogt, %gather3A_413, %select_n3A_406 : vector<16xf32>
      %select_n3A_415 = arith.select %gt3A_414, %gather3A_413, %select_n3A_406 : vector<16xi1>, vector<16xf32>
      %jit3A_416 = arith.constant 7 : i32
      %broadcast_in_dim3A_417 = vector.broadcast %jit3A_416 : i32 to vector<16xi32>
      %select_n3A_418 = arith.select %gt3A_414, %broadcast_in_dim3A_417, %select_n3A_409 : vector<16xi1>, vector<16xi32>
      %add3A_419 = arith.constant 8 : i32
      %add3A_420 = vector.broadcast %add3A_419 : i32 to vector<16xi32>
      %add3A_421 = arith.addi %mul3A_355, %add3A_420 : vector<16xi32>
      %gather3A_422 = tpu.vector_load_idx %arg8[%add3A_421] : memref<8704xf32, #tpu.memory_space<vmem>>[vector<16xi32>], vector<16xf32>,
      %gt3A_423 = arith.cmpf ogt, %gather3A_422, %select_n3A_415 : vector<16xf32>
      %select_n3A_424 = arith.select %gt3A_423, %gather3A_422, %select_n3A_415 : vector<16xi1>, vector<16xf32>
      %jit3A_425 = arith.constant 8 : i32
      %broadcast_in_dim3A_426 = vector.broadcast %jit3A_425 : i32 to vector<16xi32>
      %select_n3A_427 = arith.select %gt3A_423, %broadcast_in_dim3A_426, %select_n3A_418 : vector<16xi1>, vector<16xi32>
      %add3A_428 = arith.constant 9 : i32
      %add3A_429 = vector.broadcast %add3A_428 : i32 to vector<16xi32>
      %add3A_430 = arith.addi %mul3A_355, %add3A_429 : vector<16xi32>
      %gather3A_431 = tpu.vector_load_idx %arg8[%add3A_430] : memref<8704xf32, #tpu.memory_space<vmem>>[vector<16xi32>], vector<16xf32>,
      %gt3A_432 = arith.cmpf ogt, %gather3A_431, %select_n3A_424 : vector<16xf32>
      %select_n3A_433 = arith.select %gt3A_432, %gather3A_431, %select_n3A_424 : vector<16xi1>, vector<16xf32>
      %jit3A_434 = arith.constant 9 : i32
      %broadcast_in_dim3A_435 = vector.broadcast %jit3A_434 : i32 to vector<16xi32>
      %select_n3A_436 = arith.select %gt3A_432, %broadcast_in_dim3A_435, %select_n3A_427 : vector<16xi1>, vector<16xi32>
      %add3A_437 = arith.constant 10 : i32
      %add3A_438 = vector.broadcast %add3A_437 : i32 to vector<16xi32>
      %add3A_439 = arith.addi %mul3A_355, %add3A_438 : vector<16xi32>
      %gather3A_440 = tpu.vector_load_idx %arg8[%add3A_439] : memref<8704xf32, #tpu.memory_space<vmem>>[vector<16xi32>], vector<16xf32>,
      %gt3A_441 = arith.cmpf ogt, %gather3A_440, %select_n3A_433 : vector<16xf32>
      %select_n3A_442 = arith.select %gt3A_441, %gather3A_440, %select_n3A_433 : vector<16xi1>, vector<16xf32>
      %jit3A_443 = arith.constant 10 : i32
      %broadcast_in_dim3A_444 = vector.broadcast %jit3A_443 : i32 to vector<16xi32>
      %select_n3A_445 = arith.select %gt3A_441, %broadcast_in_dim3A_444, %select_n3A_436 : vector<16xi1>, vector<16xi32>
      %add3A_446 = arith.constant 11 : i32
      %add3A_447 = vector.broadcast %add3A_446 : i32 to vector<16xi32>
      %add3A_448 = arith.addi %mul3A_355, %add3A_447 : vector<16xi32>
      %gather3A_449 = tpu.vector_load_idx %arg8[%add3A_448] : memref<8704xf32, #tpu.memory_space<vmem>>[vector<16xi32>], vector<16xf32>,
      %gt3A_450 = arith.cmpf ogt, %gather3A_449, %select_n3A_442 : vector<16xf32>
      %select_n3A_451 = arith.select %gt3A_450, %gather3A_449, %select_n3A_442 : vector<16xi1>, vector<16xf32>
      %jit3A_452 = arith.constant 11 : i32
      %broadcast_in_dim3A_453 = vector.broadcast %jit3A_452 : i32 to vector<16xi32>
      %select_n3A_454 = arith.select %gt3A_450, %broadcast_in_dim3A_453, %select_n3A_445 : vector<16xi1>, vector<16xi32>
      %add3A_455 = arith.constant 12 : i32
      %add3A_456 = vector.broadcast %add3A_455 : i32 to vector<16xi32>
      %add3A_457 = arith.addi %mul3A_355, %add3A_456 : vector<16xi32>
      %gather3A_458 = tpu.vector_load_idx %arg8[%add3A_457] : memref<8704xf32, #tpu.memory_space<vmem>>[vector<16xi32>], vector<16xf32>,
      %gt3A_459 = arith.cmpf ogt, %gather3A_458, %select_n3A_451 : vector<16xf32>
      %select_n3A_460 = arith.select %gt3A_459, %gather3A_458, %select_n3A_451 : vector<16xi1>, vector<16xf32>
      %jit3A_461 = arith.constant 12 : i32
      %broadcast_in_dim3A_462 = vector.broadcast %jit3A_461 : i32 to vector<16xi32>
      %select_n3A_463 = arith.select %gt3A_459, %broadcast_in_dim3A_462, %select_n3A_454 : vector<16xi1>, vector<16xi32>
      %add3A_464 = arith.constant 13 : i32
      %add3A_465 = vector.broadcast %add3A_464 : i32 to vector<16xi32>
      %add3A_466 = arith.addi %mul3A_355, %add3A_465 : vector<16xi32>
      %gather3A_467 = tpu.vector_load_idx %arg8[%add3A_466] : memref<8704xf32, #tpu.memory_space<vmem>>[vector<16xi32>], vector<16xf32>,
      %gt3A_468 = arith.cmpf ogt, %gather3A_467, %select_n3A_460 : vector<16xf32>
      %select_n3A_469 = arith.select %gt3A_468, %gather3A_467, %select_n3A_460 : vector<16xi1>, vector<16xf32>
      %jit3A_470 = arith.constant 13 : i32
      %broadcast_in_dim3A_471 = vector.broadcast %jit3A_470 : i32 to vector<16xi32>
      %select_n3A_472 = arith.select %gt3A_468, %broadcast_in_dim3A_471, %select_n3A_463 : vector<16xi1>, vector<16xi32>
      %add3A_473 = arith.constant 14 : i32
      %add3A_474 = vector.broadcast %add3A_473 : i32 to vector<16xi32>
      %add3A_475 = arith.addi %mul3A_355, %add3A_474 : vector<16xi32>
      %gather3A_476 = tpu.vector_load_idx %arg8[%add3A_475] : memref<8704xf32, #tpu.memory_space<vmem>>[vector<16xi32>], vector<16xf32>,
      %gt3A_477 = arith.cmpf ogt, %gather3A_476, %select_n3A_469 : vector<16xf32>
      %select_n3A_478 = arith.select %gt3A_477, %gather3A_476, %select_n3A_469 : vector<16xi1>, vector<16xf32>
      %jit3A_479 = arith.constant 14 : i32
      %broadcast_in_dim3A_480 = vector.broadcast %jit3A_479 : i32 to vector<16xi32>
      %select_n3A_481 = arith.select %gt3A_477, %broadcast_in_dim3A_480, %select_n3A_472 : vector<16xi1>, vector<16xi32>
      %add3A_482 = arith.constant 15 : i32
      %add3A_483 = vector.broadcast %add3A_482 : i32 to vector<16xi32>
      %add3A_484 = arith.addi %mul3A_355, %add3A_483 : vector<16xi32>
      %gather3A_485 = tpu.vector_load_idx %arg8[%add3A_484] : memref<8704xf32, #tpu.memory_space<vmem>>[vector<16xi32>], vector<16xf32>,
      %gt3A_486 = arith.cmpf ogt, %gather3A_485, %select_n3A_478 : vector<16xf32>
      %select_n3A_487 = arith.select %gt3A_486, %gather3A_485, %select_n3A_478 : vector<16xi1>, vector<16xf32>
      %jit3A_488 = arith.constant 15 : i32
      %broadcast_in_dim3A_489 = vector.broadcast %jit3A_488 : i32 to vector<16xi32>
      %select_n3A_490 = arith.select %gt3A_486, %broadcast_in_dim3A_489, %select_n3A_481 : vector<16xi1>, vector<16xi32>
      %mul3A_491 = arith.constant 16 : i32
      %mul3A_492 = arith.muli %add3A_348, %mul3A_491 : i32
      %add3A_493 = arith.addi %mul3A_2, %mul3A_492 : i32
      %add3A_494 = vector.broadcast %add3A_493 : i32 to vector<16xi32>
      %add3A_495 = arith.addi %add3A_494, %iota3A : vector<16xi32>
      %mul3A_496 = arith.constant 16384 : i32
      %mul3A_497 = vector.broadcast %mul3A_496 : i32 to vector<16xi32>
      %mul3A_498 = arith.muli %select_n3A_490, %mul3A_497 : vector<16xi32>
      %add3A_499 = arith.addi %mul3A_498, %add3A_495 : vector<16xi32>
      %mul3A_500 = arith.constant 16 : i32
      %mul3A_501 = arith.muli %add3A_348, %mul3A_500 : i32
      %swap3A_502 = arith.index_cast %mul3A_501 : i32 to index
      %swap3A_503 = tpu.vector_load %arg9[%swap3A_502] {strides = array<i32>} : memref<512xi32, #tpu.memory_space<vmem>>, vector<16xi32>,
      tpu.vector_store %arg9[%swap3A_502], %add3A_499 {strides = array<i32>} : memref<512xi32, #tpu.memory_space<vmem>>, vector<16xi32>,
    }
    %scan3A_151 = arith.constant 32 : i32
    "tpu.region"() ({
      %run_scoped3A_344 = tpu.sem_alloc : memref<!tpu.dma_semaphore, #tpu.memory_space<semaphore_mem>>
      %dma_start3A = arith.constant 0 : i32
      %dma_start3A_345 = tpu.memref_slice %arg3[%dma_start3A] : memref<262144xf32, #tpu.memory_space<hbm>> -> memref<262144xf32, #tpu.memory_space<hbm>>
      tpu.enqueue_indirect_dma source(%dma_start3A_345 : memref<262144xf32, #tpu.memory_space<hbm>>) target(%arg10 : memref<512xf32, #tpu.memory_space<vmem>>) offsets(%arg9 : memref<512xi32, #tpu.memory_space<vmem>>) semaphore(%run_scoped3A_344 : memref<!tpu.dma_semaphore, #tpu.memory_space<semaphore_mem>>)
      %dma_wait3A = arith.constant 0 : i32
      %dma_wait3A_346 = tpu.memref_slice %arg3[%dma_wait3A] : memref<262144xf32, #tpu.memory_space<hbm>> -> memref<262144xf32, #tpu.memory_space<hbm>>
      tpu.wait_indirect_dma semaphore(%run_scoped3A_344 : memref<!tpu.dma_semaphore, #tpu.memory_space<semaphore_mem>>) src(%dma_wait3A_346 : memref<262144xf32, #tpu.memory_space<hbm>>) dst(%arg10 : memref<512xf32, #tpu.memory_space<vmem>>)
      tpu.yield
    }) : () -> ()
    %get3A = arith.constant 0 : index
    %get3A_152 = tpu.vector_load %arg20[%get3A] {strides = array<i32>} : memref<16xi32, #tpu.memory_space<vmem>>, vector<16xi32>,
    %scan3A_153 = arith.constant 0 : i32
    %scan3A_154 = arith.constant 32 : i32
    %scan3A_155 = arith.addi %scan3A_153, %scan3A_154 : i32
    %scan3A_156 = arith.constant 1 : i32
    scf.for %scan3A_344 = %scan3A_153 to %scan3A_155 step %scan3A_156  : i32 {
      %mul3A_345 = arith.constant 1 : i32
      %mul3A_346 = arith.muli %scan3A_344, %mul3A_345 : i32
      %add3A_347 = arith.constant 0 : i32
      %add3A_348 = arith.addi %add3A_347, %mul3A_346 : i32
      %mul3A_349 = arith.constant 16 : i32
      %mul3A_350 = arith.muli %add3A_348, %mul3A_349 : i32
      %get3A_351 = arith.index_cast %mul3A_350 : i32 to index
      %get3A_352 = tpu.vector_load %arg10[%get3A_351] {strides = array<i32>} : memref<512xf32, #tpu.memory_space<vmem>>, vector<16xf32>,
      %get3A_353 = arith.index_cast %mul3A_350 : i32 to index
      %get3A_354 = tpu.vector_load %arg11[%get3A_353] {strides = array<i32>} : memref<512xf32, #tpu.memory_space<vmem>>, vector<16xf32>,
      %get3A_355 = arith.index_cast %mul3A_350 : i32 to index
      %get3A_356 = tpu.vector_load %arg9[%get3A_355] {strides = array<i32>} : memref<512xi32, #tpu.memory_space<vmem>>, vector<16xi32>,
      %shift_right_logical3A = arith.constant 14 : i32
      %shift_right_logical3A_357 = vector.broadcast %shift_right_logical3A : i32 to vector<16xi32>
      %shift_right_logical3A_358 = arith.shrui %get3A_356, %shift_right_logical3A_357 : vector<16xi32>
      %abs3A = math.absf %get3A_352 : vector<16xf32>
      %neg3A = arith.constant 0.000000e+00 : f32
      %neg3A_359 = vector.broadcast %neg3A : f32 to vector<16xf32>
      %neg3A_360 = arith.subf %neg3A_359, %abs3A : vector<16xf32>
      %exp3A = math.exp %neg3A_360 : vector<16xf32>
      %broadcast_in_dim3A_361 = arith.constant -0.00846612919 : f32
      %broadcast_in_dim3A_362 = vector.broadcast %broadcast_in_dim3A_361 : f32 to vector<16xf32>
      %mul3A_363 = arith.mulf %broadcast_in_dim3A_362, %exp3A : vector<16xf32>
      %add3A_364 = arith.constant 0.0436580516 : f32
      %add3A_365 = vector.broadcast %add3A_364 : f32 to vector<16xf32>
      %add3A_366 = arith.addf %mul3A_363, %add3A_365 : vector<16xf32>
      %mul3A_367 = arith.mulf %add3A_366, %exp3A : vector<16xf32>
      %add3A_368 = arith.constant -0.106797174 : f32
      %add3A_369 = vector.broadcast %add3A_368 : f32 to vector<16xf32>
      %add3A_370 = arith.addf %mul3A_367, %add3A_369 : vector<16xf32>
      %mul3A_371 = arith.mulf %add3A_370, %exp3A : vector<16xf32>
      %add3A_372 = arith.constant 0.176596791 : f32
      %add3A_373 = vector.broadcast %add3A_372 : f32 to vector<16xf32>
      %add3A_374 = arith.addf %mul3A_371, %add3A_373 : vector<16xf32>
      %mul3A_375 = arith.mulf %add3A_374, %exp3A : vector<16xf32>
      %add3A_376 = arith.constant -0.244533032 : f32
      %add3A_377 = vector.broadcast %add3A_376 : f32 to vector<16xf32>
      %add3A_378 = arith.addf %mul3A_375, %add3A_377 : vector<16xf32>
      %mul3A_379 = arith.mulf %add3A_378, %exp3A : vector<16xf32>
      %add3A_380 = arith.constant 0.33265236 : f32
      %add3A_381 = vector.broadcast %add3A_380 : f32 to vector<16xf32>
      %add3A_382 = arith.addf %mul3A_379, %add3A_381 : vector<16xf32>
      %mul3A_383 = arith.mulf %add3A_382, %exp3A : vector<16xf32>
      %add3A_384 = arith.constant -0.499963552 : f32
      %add3A_385 = vector.broadcast %add3A_384 : f32 to vector<16xf32>
      %add3A_386 = arith.addf %mul3A_383, %add3A_385 : vector<16xf32>
      %mul3A_387 = arith.mulf %add3A_386, %exp3A : vector<16xf32>
      %add3A_388 = arith.constant 0.999999523 : f32
      %add3A_389 = vector.broadcast %add3A_388 : f32 to vector<16xf32>
      %add3A_390 = arith.addf %mul3A_387, %add3A_389 : vector<16xf32>
      %mul3A_391 = arith.mulf %exp3A, %add3A_390 : vector<16xf32>
      %max3A = arith.constant 0.000000e+00 : f32
      %max3A_392 = vector.broadcast %max3A : f32 to vector<16xf32>
      %max3A_393 = arith.maximumf %get3A_352, %max3A_392 : vector<16xf32>
      %mul3A_394 = arith.mulf %get3A_352, %get3A_354 : vector<16xf32>
      %sub3A = arith.subf %max3A_393, %mul3A_394 : vector<16xf32>
      %add3A_395 = arith.addf %sub3A, %mul3A_391 : vector<16xf32>
      %mul3A_396 = arith.constant 2.000000e+00 : f32
      %mul3A_397 = vector.broadcast %mul3A_396 : f32 to vector<16xf32>
      %mul3A_398 = arith.mulf %mul3A_397, %get3A_354 : vector<16xf32>
      %sub3A_399 = arith.constant 1.000000e+00 : f32
      %sub3A_400 = vector.broadcast %sub3A_399 : f32 to vector<16xf32>
      %sub3A_401 = arith.subf %mul3A_398, %sub3A_400 : vector<16xf32>
      %mul3A_402 = arith.mulf %get3A_352, %sub3A_401 : vector<16xf32>
      %add3A_403 = arith.addf %add3A_395, %mul3A_402 : vector<16xf32>
      %mul3A_404 = arith.constant 16 : i32
      %mul3A_405 = arith.muli %add3A_348, %mul3A_404 : i32
      %add3A_406 = arith.addi %mul3A_2, %mul3A_405 : i32
      %add3A_407 = vector.broadcast %add3A_406 : i32 to vector<16xi32>
      %add3A_408 = arith.addi %add3A_407, %iota3A : vector<16xi32>
      %ge3A = arith.cmpi sge, %add3A_408, %get3A_152 : vector<16xi32>
      %jit3A = arith.constant 1.000000e+00 : f32
      %jit3A_409 = arith.constant 0.000000e+00 : f32
      %broadcast_in_dim3A_410 = vector.broadcast %jit3A : f32 to vector<16xf32>
      %broadcast_in_dim3A_411 = vector.broadcast %jit3A_409 : f32 to vector<16xf32>
      %select_n3A = arith.select %ge3A, %broadcast_in_dim3A_410, %broadcast_in_dim3A_411 : vector<16xi1>, vector<16xf32>
      %mul3A_412 = arith.constant 17 : i32
      %mul3A_413 = vector.broadcast %mul3A_412 : i32 to vector<16xi32>
      %mul3A_414 = arith.muli %iota3A, %mul3A_413 : vector<16xi32>
      %add3A_415 = arith.addi %mul3A_414, %shift_right_logical3A_358 : vector<16xi32>
      tpu.vector_store_idx %arg12[%add3A_415], %add3A_395 {add = true} : memref<272xf32, #tpu.memory_space<vmem>>[vector<16xi32>], vector<16xf32>,
      tpu.vector_store_idx %arg13[%add3A_415], %broadcast_in_dim3A_7 {add = true} : memref<272xf32, #tpu.memory_space<vmem>>[vector<16xi32>], vector<16xf32>,
      %mul3A_416 = arith.mulf %add3A_403, %select_n3A : vector<16xf32>
      tpu.vector_store_idx %arg14[%add3A_415], %mul3A_416 {add = true} : memref<272xf32, #tpu.memory_space<vmem>>[vector<16xi32>], vector<16xf32>,
      tpu.vector_store_idx %arg15[%add3A_415], %select_n3A {add = true} : memref<272xf32, #tpu.memory_space<vmem>>[vector<16xi32>], vector<16xf32>,
    }
    %scan3A_157 = arith.constant 32 : i32
    %add3A_158 = arith.constant 0 : i32
    %add3A_159 = vector.broadcast %add3A_158 : i32 to vector<16xi32>
    %add3A_160 = arith.addi %add3A_159, %iota3A : vector<16xi32>
    %gather3A = tpu.vector_load_idx %arg12[%add3A_160] : memref<272xf32, #tpu.memory_space<vmem>>[vector<16xi32>], vector<16xf32>,
    %add3A_161 = arith.addf %broadcast_in_dim3A_5, %gather3A : vector<16xf32>
    %gather3A_162 = tpu.vector_load_idx %arg13[%add3A_160] : memref<272xf32, #tpu.memory_space<vmem>>[vector<16xi32>], vector<16xf32>,
    %add3A_163 = arith.addf %broadcast_in_dim3A_5, %gather3A_162 : vector<16xf32>
    %gather3A_164 = tpu.vector_load_idx %arg14[%add3A_160] : memref<272xf32, #tpu.memory_space<vmem>>[vector<16xi32>], vector<16xf32>,
    %add3A_165 = arith.addf %broadcast_in_dim3A_5, %gather3A_164 : vector<16xf32>
    %gather3A_166 = tpu.vector_load_idx %arg15[%add3A_160] : memref<272xf32, #tpu.memory_space<vmem>>[vector<16xi32>], vector<16xf32>,
    %add3A_167 = arith.addf %broadcast_in_dim3A_5, %gather3A_166 : vector<16xf32>
    %add3A_168 = arith.constant 17 : i32
    %add3A_169 = vector.broadcast %add3A_168 : i32 to vector<16xi32>
    %add3A_170 = arith.addi %add3A_169, %iota3A : vector<16xi32>
    %gather3A_171 = tpu.vector_load_idx %arg12[%add3A_170] : memref<272xf32, #tpu.memory_space<vmem>>[vector<16xi32>], vector<16xf32>,
    %add3A_172 = arith.addf %add3A_161, %gather3A_171 : vector<16xf32>
    %gather3A_173 = tpu.vector_load_idx %arg13[%add3A_170] : memref<272xf32, #tpu.memory_space<vmem>>[vector<16xi32>], vector<16xf32>,
    %add3A_174 = arith.addf %add3A_163, %gather3A_173 : vector<16xf32>
    %gather3A_175 = tpu.vector_load_idx %arg14[%add3A_170] : memref<272xf32, #tpu.memory_space<vmem>>[vector<16xi32>], vector<16xf32>,
    %add3A_176 = arith.addf %add3A_165, %gather3A_175 : vector<16xf32>
    %gather3A_177 = tpu.vector_load_idx %arg15[%add3A_170] : memref<272xf32, #tpu.memory_space<vmem>>[vector<16xi32>], vector<16xf32>,
    %add3A_178 = arith.addf %add3A_167, %gather3A_177 : vector<16xf32>
    %add3A_179 = arith.constant 34 : i32
    %add3A_180 = vector.broadcast %add3A_179 : i32 to vector<16xi32>
    %add3A_181 = arith.addi %add3A_180, %iota3A : vector<16xi32>
    %gather3A_182 = tpu.vector_load_idx %arg12[%add3A_181] : memref<272xf32, #tpu.memory_space<vmem>>[vector<16xi32>], vector<16xf32>,
    %add3A_183 = arith.addf %add3A_172, %gather3A_182 : vector<16xf32>
    %gather3A_184 = tpu.vector_load_idx %arg13[%add3A_181] : memref<272xf32, #tpu.memory_space<vmem>>[vector<16xi32>], vector<16xf32>,
    %add3A_185 = arith.addf %add3A_174, %gather3A_184 : vector<16xf32>
    %gather3A_186 = tpu.vector_load_idx %arg14[%add3A_181] : memref<272xf32, #tpu.memory_space<vmem>>[vector<16xi32>], vector<16xf32>,
    %add3A_187 = arith.addf %add3A_176, %gather3A_186 : vector<16xf32>
    %gather3A_188 = tpu.vector_load_idx %arg15[%add3A_181] : memref<272xf32, #tpu.memory_space<vmem>>[vector<16xi32>], vector<16xf32>,
    %add3A_189 = arith.addf %add3A_178, %gather3A_188 : vector<16xf32>
    %add3A_190 = arith.constant 51 : i32
    %add3A_191 = vector.broadcast %add3A_190 : i32 to vector<16xi32>
    %add3A_192 = arith.addi %add3A_191, %iota3A : vector<16xi32>
    %gather3A_193 = tpu.vector_load_idx %arg12[%add3A_192] : memref<272xf32, #tpu.memory_space<vmem>>[vector<16xi32>], vector<16xf32>,
    %add3A_194 = arith.addf %add3A_183, %gather3A_193 : vector<16xf32>
    %gather3A_195 = tpu.vector_load_idx %arg13[%add3A_192] : memref<272xf32, #tpu.memory_space<vmem>>[vector<16xi32>], vector<16xf32>,
    %add3A_196 = arith.addf %add3A_185, %gather3A_195 : vector<16xf32>
    %gather3A_197 = tpu.vector_load_idx %arg14[%add3A_192] : memref<272xf32, #tpu.memory_space<vmem>>[vector<16xi32>], vector<16xf32>,
    %add3A_198 = arith.addf %add3A_187, %gather3A_197 : vector<16xf32>
    %gather3A_199 = tpu.vector_load_idx %arg15[%add3A_192] : memref<272xf32, #tpu.memory_space<vmem>>[vector<16xi32>], vector<16xf32>,
    %add3A_200 = arith.addf %add3A_189, %gather3A_199 : vector<16xf32>
    %add3A_201 = arith.constant 68 : i32
    %add3A_202 = vector.broadcast %add3A_201 : i32 to vector<16xi32>
    %add3A_203 = arith.addi %add3A_202, %iota3A : vector<16xi32>
    %gather3A_204 = tpu.vector_load_idx %arg12[%add3A_203] : memref<272xf32, #tpu.memory_space<vmem>>[vector<16xi32>], vector<16xf32>,
    %add3A_205 = arith.addf %add3A_194, %gather3A_204 : vector<16xf32>
    %gather3A_206 = tpu.vector_load_idx %arg13[%add3A_203] : memref<272xf32, #tpu.memory_space<vmem>>[vector<16xi32>], vector<16xf32>,
    %add3A_207 = arith.addf %add3A_196, %gather3A_206 : vector<16xf32>
    %gather3A_208 = tpu.vector_load_idx %arg14[%add3A_203] : memref<272xf32, #tpu.memory_space<vmem>>[vector<16xi32>], vector<16xf32>,
    %add3A_209 = arith.addf %add3A_198, %gather3A_208 : vector<16xf32>
    %gather3A_210 = tpu.vector_load_idx %arg15[%add3A_203] : memref<272xf32, #tpu.memory_space<vmem>>[vector<16xi32>], vector<16xf32>,
    %add3A_211 = arith.addf %add3A_200, %gather3A_210 : vector<16xf32>
    %add3A_212 = arith.constant 85 : i32
    %add3A_213 = vector.broadcast %add3A_212 : i32 to vector<16xi32>
    %add3A_214 = arith.addi %add3A_213, %iota3A : vector<16xi32>
    %gather3A_215 = tpu.vector_load_idx %arg12[%add3A_214] : memref<272xf32, #tpu.memory_space<vmem>>[vector<16xi32>], vector<16xf32>,
    %add3A_216 = arith.addf %add3A_205, %gather3A_215 : vector<16xf32>
    %gather3A_217 = tpu.vector_load_idx %arg13[%add3A_214] : memref<272xf32, #tpu.memory_space<vmem>>[vector<16xi32>], vector<16xf32>,
    %add3A_218 = arith.addf %add3A_207, %gather3A_217 : vector<16xf32>
    %gather3A_219 = tpu.vector_load_idx %arg14[%add3A_214] : memref<272xf32, #tpu.memory_space<vmem>>[vector<16xi32>], vector<16xf32>,
    %add3A_220 = arith.addf %add3A_209, %gather3A_219 : vector<16xf32>
    %gather3A_221 = tpu.vector_load_idx %arg15[%add3A_214] : memref<272xf32, #tpu.memory_space<vmem>>[vector<16xi32>], vector<16xf32>,
    %add3A_222 = arith.addf %add3A_211, %gather3A_221 : vector<16xf32>
    %add3A_223 = arith.constant 102 : i32
    %add3A_224 = vector.broadcast %add3A_223 : i32 to vector<16xi32>
    %add3A_225 = arith.addi %add3A_224, %iota3A : vector<16xi32>
    %gather3A_226 = tpu.vector_load_idx %arg12[%add3A_225] : memref<272xf32, #tpu.memory_space<vmem>>[vector<16xi32>], vector<16xf32>,
    %add3A_227 = arith.addf %add3A_216, %gather3A_226 : vector<16xf32>
    %gather3A_228 = tpu.vector_load_idx %arg13[%add3A_225] : memref<272xf32, #tpu.memory_space<vmem>>[vector<16xi32>], vector<16xf32>,
    %add3A_229 = arith.addf %add3A_218, %gather3A_228 : vector<16xf32>
    %gather3A_230 = tpu.vector_load_idx %arg14[%add3A_225] : memref<272xf32, #tpu.memory_space<vmem>>[vector<16xi32>], vector<16xf32>,
    %add3A_231 = arith.addf %add3A_220, %gather3A_230 : vector<16xf32>
    %gather3A_232 = tpu.vector_load_idx %arg15[%add3A_225] : memref<272xf32, #tpu.memory_space<vmem>>[vector<16xi32>], vector<16xf32>,
    %add3A_233 = arith.addf %add3A_222, %gather3A_232 : vector<16xf32>
    %add3A_234 = arith.constant 119 : i32
    %add3A_235 = vector.broadcast %add3A_234 : i32 to vector<16xi32>
    %add3A_236 = arith.addi %add3A_235, %iota3A : vector<16xi32>
    %gather3A_237 = tpu.vector_load_idx %arg12[%add3A_236] : memref<272xf32, #tpu.memory_space<vmem>>[vector<16xi32>], vector<16xf32>,
    %add3A_238 = arith.addf %add3A_227, %gather3A_237 : vector<16xf32>
    %gather3A_239 = tpu.vector_load_idx %arg13[%add3A_236] : memref<272xf32, #tpu.memory_space<vmem>>[vector<16xi32>], vector<16xf32>,
    %add3A_240 = arith.addf %add3A_229, %gather3A_239 : vector<16xf32>
    %gather3A_241 = tpu.vector_load_idx %arg14[%add3A_236] : memref<272xf32, #tpu.memory_space<vmem>>[vector<16xi32>], vector<16xf32>,
    %add3A_242 = arith.addf %add3A_231, %gather3A_241 : vector<16xf32>
    %gather3A_243 = tpu.vector_load_idx %arg15[%add3A_236] : memref<272xf32, #tpu.memory_space<vmem>>[vector<16xi32>], vector<16xf32>,
    %add3A_244 = arith.addf %add3A_233, %gather3A_243 : vector<16xf32>
    %add3A_245 = arith.constant 136 : i32
    %add3A_246 = vector.broadcast %add3A_245 : i32 to vector<16xi32>
    %add3A_247 = arith.addi %add3A_246, %iota3A : vector<16xi32>
    %gather3A_248 = tpu.vector_load_idx %arg12[%add3A_247] : memref<272xf32, #tpu.memory_space<vmem>>[vector<16xi32>], vector<16xf32>,
    %add3A_249 = arith.addf %add3A_238, %gather3A_248 : vector<16xf32>
    %gather3A_250 = tpu.vector_load_idx %arg13[%add3A_247] : memref<272xf32, #tpu.memory_space<vmem>>[vector<16xi32>], vector<16xf32>,
    %add3A_251 = arith.addf %add3A_240, %gather3A_250 : vector<16xf32>
    %gather3A_252 = tpu.vector_load_idx %arg14[%add3A_247] : memref<272xf32, #tpu.memory_space<vmem>>[vector<16xi32>], vector<16xf32>,
    %add3A_253 = arith.addf %add3A_242, %gather3A_252 : vector<16xf32>
    %gather3A_254 = tpu.vector_load_idx %arg15[%add3A_247] : memref<272xf32, #tpu.memory_space<vmem>>[vector<16xi32>], vector<16xf32>,
    %add3A_255 = arith.addf %add3A_244, %gather3A_254 : vector<16xf32>
    %add3A_256 = arith.constant 153 : i32
    %add3A_257 = vector.broadcast %add3A_256 : i32 to vector<16xi32>
    %add3A_258 = arith.addi %add3A_257, %iota3A : vector<16xi32>
    %gather3A_259 = tpu.vector_load_idx %arg12[%add3A_258] : memref<272xf32, #tpu.memory_space<vmem>>[vector<16xi32>], vector<16xf32>,
    %add3A_260 = arith.addf %add3A_249, %gather3A_259 : vector<16xf32>
    %gather3A_261 = tpu.vector_load_idx %arg13[%add3A_258] : memref<272xf32, #tpu.memory_space<vmem>>[vector<16xi32>], vector<16xf32>,
    %add3A_262 = arith.addf %add3A_251, %gather3A_261 : vector<16xf32>
    %gather3A_263 = tpu.vector_load_idx %arg14[%add3A_258] : memref<272xf32, #tpu.memory_space<vmem>>[vector<16xi32>], vector<16xf32>,
    %add3A_264 = arith.addf %add3A_253, %gather3A_263 : vector<16xf32>
    %gather3A_265 = tpu.vector_load_idx %arg15[%add3A_258] : memref<272xf32, #tpu.memory_space<vmem>>[vector<16xi32>], vector<16xf32>,
    %add3A_266 = arith.addf %add3A_255, %gather3A_265 : vector<16xf32>
    %add3A_267 = arith.constant 170 : i32
    %add3A_268 = vector.broadcast %add3A_267 : i32 to vector<16xi32>
    %add3A_269 = arith.addi %add3A_268, %iota3A : vector<16xi32>
    %gather3A_270 = tpu.vector_load_idx %arg12[%add3A_269] : memref<272xf32, #tpu.memory_space<vmem>>[vector<16xi32>], vector<16xf32>,
    %add3A_271 = arith.addf %add3A_260, %gather3A_270 : vector<16xf32>
    %gather3A_272 = tpu.vector_load_idx %arg13[%add3A_269] : memref<272xf32, #tpu.memory_space<vmem>>[vector<16xi32>], vector<16xf32>,
    %add3A_273 = arith.addf %add3A_262, %gather3A_272 : vector<16xf32>
    %gather3A_274 = tpu.vector_load_idx %arg14[%add3A_269] : memref<272xf32, #tpu.memory_space<vmem>>[vector<16xi32>], vector<16xf32>,
    %add3A_275 = arith.addf %add3A_264, %gather3A_274 : vector<16xf32>
    %gather3A_276 = tpu.vector_load_idx %arg15[%add3A_269] : memref<272xf32, #tpu.memory_space<vmem>>[vector<16xi32>], vector<16xf32>,
    %add3A_277 = arith.addf %add3A_266, %gather3A_276 : vector<16xf32>
    %add3A_278 = arith.constant 187 : i32
    %add3A_279 = vector.broadcast %add3A_278 : i32 to vector<16xi32>
    %add3A_280 = arith.addi %add3A_279, %iota3A : vector<16xi32>
    %gather3A_281 = tpu.vector_load_idx %arg12[%add3A_280] : memref<272xf32, #tpu.memory_space<vmem>>[vector<16xi32>], vector<16xf32>,
    %add3A_282 = arith.addf %add3A_271, %gather3A_281 : vector<16xf32>
    %gather3A_283 = tpu.vector_load_idx %arg13[%add3A_280] : memref<272xf32, #tpu.memory_space<vmem>>[vector<16xi32>], vector<16xf32>,
    %add3A_284 = arith.addf %add3A_273, %gather3A_283 : vector<16xf32>
    %gather3A_285 = tpu.vector_load_idx %arg14[%add3A_280] : memref<272xf32, #tpu.memory_space<vmem>>[vector<16xi32>], vector<16xf32>,
    %add3A_286 = arith.addf %add3A_275, %gather3A_285 : vector<16xf32>
    %gather3A_287 = tpu.vector_load_idx %arg15[%add3A_280] : memref<272xf32, #tpu.memory_space<vmem>>[vector<16xi32>], vector<16xf32>,
    %add3A_288 = arith.addf %add3A_277, %gather3A_287 : vector<16xf32>
    %add3A_289 = arith.constant 204 : i32
    %add3A_290 = vector.broadcast %add3A_289 : i32 to vector<16xi32>
    %add3A_291 = arith.addi %add3A_290, %iota3A : vector<16xi32>
    %gather3A_292 = tpu.vector_load_idx %arg12[%add3A_291] : memref<272xf32, #tpu.memory_space<vmem>>[vector<16xi32>], vector<16xf32>,
    %add3A_293 = arith.addf %add3A_282, %gather3A_292 : vector<16xf32>
    %gather3A_294 = tpu.vector_load_idx %arg13[%add3A_291] : memref<272xf32, #tpu.memory_space<vmem>>[vector<16xi32>], vector<16xf32>,
    %add3A_295 = arith.addf %add3A_284, %gather3A_294 : vector<16xf32>
    %gather3A_296 = tpu.vector_load_idx %arg14[%add3A_291] : memref<272xf32, #tpu.memory_space<vmem>>[vector<16xi32>], vector<16xf32>,
    %add3A_297 = arith.addf %add3A_286, %gather3A_296 : vector<16xf32>
    %gather3A_298 = tpu.vector_load_idx %arg15[%add3A_291] : memref<272xf32, #tpu.memory_space<vmem>>[vector<16xi32>], vector<16xf32>,
    %add3A_299 = arith.addf %add3A_288, %gather3A_298 : vector<16xf32>
    %add3A_300 = arith.constant 221 : i32
    %add3A_301 = vector.broadcast %add3A_300 : i32 to vector<16xi32>
    %add3A_302 = arith.addi %add3A_301, %iota3A : vector<16xi32>
    %gather3A_303 = tpu.vector_load_idx %arg12[%add3A_302] : memref<272xf32, #tpu.memory_space<vmem>>[vector<16xi32>], vector<16xf32>,
    %add3A_304 = arith.addf %add3A_293, %gather3A_303 : vector<16xf32>
    %gather3A_305 = tpu.vector_load_idx %arg13[%add3A_302] : memref<272xf32, #tpu.memory_space<vmem>>[vector<16xi32>], vector<16xf32>,
    %add3A_306 = arith.addf %add3A_295, %gather3A_305 : vector<16xf32>
    %gather3A_307 = tpu.vector_load_idx %arg14[%add3A_302] : memref<272xf32, #tpu.memory_space<vmem>>[vector<16xi32>], vector<16xf32>,
    %add3A_308 = arith.addf %add3A_297, %gather3A_307 : vector<16xf32>
    %gather3A_309 = tpu.vector_load_idx %arg15[%add3A_302] : memref<272xf32, #tpu.memory_space<vmem>>[vector<16xi32>], vector<16xf32>,
    %add3A_310 = arith.addf %add3A_299, %gather3A_309 : vector<16xf32>
    %add3A_311 = arith.constant 238 : i32
    %add3A_312 = vector.broadcast %add3A_311 : i32 to vector<16xi32>
    %add3A_313 = arith.addi %add3A_312, %iota3A : vector<16xi32>
    %gather3A_314 = tpu.vector_load_idx %arg12[%add3A_313] : memref<272xf32, #tpu.memory_space<vmem>>[vector<16xi32>], vector<16xf32>,
    %add3A_315 = arith.addf %add3A_304, %gather3A_314 : vector<16xf32>
    %gather3A_316 = tpu.vector_load_idx %arg13[%add3A_313] : memref<272xf32, #tpu.memory_space<vmem>>[vector<16xi32>], vector<16xf32>,
    %add3A_317 = arith.addf %add3A_306, %gather3A_316 : vector<16xf32>
    %gather3A_318 = tpu.vector_load_idx %arg14[%add3A_313] : memref<272xf32, #tpu.memory_space<vmem>>[vector<16xi32>], vector<16xf32>,
    %add3A_319 = arith.addf %add3A_308, %gather3A_318 : vector<16xf32>
    %gather3A_320 = tpu.vector_load_idx %arg15[%add3A_313] : memref<272xf32, #tpu.memory_space<vmem>>[vector<16xi32>], vector<16xf32>,
    %add3A_321 = arith.addf %add3A_310, %gather3A_320 : vector<16xf32>
    %add3A_322 = arith.constant 255 : i32
    %add3A_323 = vector.broadcast %add3A_322 : i32 to vector<16xi32>
    %add3A_324 = arith.addi %add3A_323, %iota3A : vector<16xi32>
    %gather3A_325 = tpu.vector_load_idx %arg12[%add3A_324] : memref<272xf32, #tpu.memory_space<vmem>>[vector<16xi32>], vector<16xf32>,
    %add3A_326 = arith.addf %add3A_315, %gather3A_325 : vector<16xf32>
    %gather3A_327 = tpu.vector_load_idx %arg13[%add3A_324] : memref<272xf32, #tpu.memory_space<vmem>>[vector<16xi32>], vector<16xf32>,
    %add3A_328 = arith.addf %add3A_317, %gather3A_327 : vector<16xf32>
    %gather3A_329 = tpu.vector_load_idx %arg14[%add3A_324] : memref<272xf32, #tpu.memory_space<vmem>>[vector<16xi32>], vector<16xf32>,
    %add3A_330 = arith.addf %add3A_319, %gather3A_329 : vector<16xf32>
    %gather3A_331 = tpu.vector_load_idx %arg15[%add3A_324] : memref<272xf32, #tpu.memory_space<vmem>>[vector<16xi32>], vector<16xf32>,
    %add3A_332 = arith.addf %add3A_321, %gather3A_331 : vector<16xf32>
    %swap3A_333 = arith.constant 0 : index
    %swap3A_334 = tpu.vector_load %arg16[%swap3A_333] {strides = array<i32>} : memref<16xf32, #tpu.memory_space<vmem>>, vector<16xf32>,
    tpu.vector_store %arg16[%swap3A_333], %add3A_326 {strides = array<i32>} : memref<16xf32, #tpu.memory_space<vmem>>, vector<16xf32>,
    %swap3A_335 = arith.constant 0 : index
    %swap3A_336 = tpu.vector_load %arg17[%swap3A_335] {strides = array<i32>} : memref<16xf32, #tpu.memory_space<vmem>>, vector<16xf32>,
    tpu.vector_store %arg17[%swap3A_335], %add3A_328 {strides = array<i32>} : memref<16xf32, #tpu.memory_space<vmem>>, vector<16xf32>,
    %swap3A_337 = arith.constant 0 : index
    %swap3A_338 = tpu.vector_load %arg18[%swap3A_337] {strides = array<i32>} : memref<16xf32, #tpu.memory_space<vmem>>, vector<16xf32>,
    tpu.vector_store %arg18[%swap3A_337], %add3A_330 {strides = array<i32>} : memref<16xf32, #tpu.memory_space<vmem>>, vector<16xf32>,
    %swap3A_339 = arith.constant 0 : index
    %swap3A_340 = tpu.vector_load %arg19[%swap3A_339] {strides = array<i32>} : memref<16xf32, #tpu.memory_space<vmem>>, vector<16xf32>,
    tpu.vector_store %arg19[%swap3A_339], %add3A_332 {strides = array<i32>} : memref<16xf32, #tpu.memory_space<vmem>>, vector<16xf32>,
    %run_scoped3A = arith.constant 0 : i32
    "tpu.region"() ({
      %run_scoped3A_344 = tpu.sem_alloc : memref<!tpu.dma_semaphore, #tpu.memory_space<semaphore_mem>>
      %dma_start3A = arith.constant 0 : i32
      %dma_start3A_345 = tpu.memref_slice %arg6[%run_scoped3A, %add3A, %dma_start3A] : memref<4x32x16xf32, #tpu.memory_space<hbm>> -> memref<1x1x16xf32, #tpu.memory_space<hbm>>
      %dma_start3A_346 = tpu.memref_squeeze %dma_start3A_345 : memref<1x1x16xf32, #tpu.memory_space<hbm>> -> memref<16xf32, #tpu.memory_space<hbm>>
      %dma_start3A_347 = arith.constant 0 : i32
      %dma_start3A_348 = tpu.memref_slice %arg6[%run_scoped3A, %add3A, %dma_start3A_347] : memref<4x32x16xf32, #tpu.memory_space<hbm>> -> memref<1x1x16xf32, #tpu.memory_space<hbm>>
      %dma_start3A_349 = tpu.memref_squeeze %dma_start3A_348 : memref<1x1x16xf32, #tpu.memory_space<hbm>> -> memref<16xf32, #tpu.memory_space<hbm>>
      tpu.enqueue_dma source(%arg16 : memref<16xf32, #tpu.memory_space<vmem>>) target(%dma_start3A_349 : memref<16xf32, #tpu.memory_space<hbm>>) target_semaphore(%run_scoped3A_344 : memref<!tpu.dma_semaphore, #tpu.memory_space<semaphore_mem>>)
      %dma_wait3A = arith.constant 0 : i32
      %dma_wait3A_350 = tpu.memref_slice %arg6[%run_scoped3A, %add3A, %dma_wait3A] : memref<4x32x16xf32, #tpu.memory_space<hbm>> -> memref<1x1x16xf32, #tpu.memory_space<hbm>>
      %dma_wait3A_351 = tpu.memref_squeeze %dma_wait3A_350 : memref<1x1x16xf32, #tpu.memory_space<hbm>> -> memref<16xf32, #tpu.memory_space<hbm>>
      %dma_wait3A_352 = arith.constant 0 : i32
      %dma_wait3A_353 = tpu.memref_slice %arg6[%run_scoped3A, %add3A, %dma_wait3A_352] : memref<4x32x16xf32, #tpu.memory_space<hbm>> -> memref<1x1x16xf32, #tpu.memory_space<hbm>>
      %dma_wait3A_354 = tpu.memref_squeeze %dma_wait3A_353 : memref<1x1x16xf32, #tpu.memory_space<hbm>> -> memref<16xf32, #tpu.memory_space<hbm>>
      tpu.wait_dma2 semaphore(%run_scoped3A_344 : memref<!tpu.dma_semaphore, #tpu.memory_space<semaphore_mem>>) src(%arg16 : memref<16xf32, #tpu.memory_space<vmem>>) dst(%dma_wait3A_354 : memref<16xf32, #tpu.memory_space<hbm>>)
      tpu.yield
    }) : () -> ()
    %run_scoped3A_341 = arith.constant 1 : i32
    "tpu.region"() ({
      %run_scoped3A_344 = tpu.sem_alloc : memref<!tpu.dma_semaphore, #tpu.memory_space<semaphore_mem>>
      %dma_start3A = arith.constant 0 : i32
      %dma_start3A_345 = tpu.memref_slice %arg6[%run_scoped3A_341, %add3A, %dma_start3A] : memref<4x32x16xf32, #tpu.memory_space<hbm>> -> memref<1x1x16xf32, #tpu.memory_space<hbm>>
      %dma_start3A_346 = tpu.memref_squeeze %dma_start3A_345 : memref<1x1x16xf32, #tpu.memory_space<hbm>> -> memref<16xf32, #tpu.memory_space<hbm>>
      %dma_start3A_347 = arith.constant 0 : i32
      %dma_start3A_348 = tpu.memref_slice %arg6[%run_scoped3A_341, %add3A, %dma_start3A_347] : memref<4x32x16xf32, #tpu.memory_space<hbm>> -> memref<1x1x16xf32, #tpu.memory_space<hbm>>
      %dma_start3A_349 = tpu.memref_squeeze %dma_start3A_348 : memref<1x1x16xf32, #tpu.memory_space<hbm>> -> memref<16xf32, #tpu.memory_space<hbm>>
      tpu.enqueue_dma source(%arg17 : memref<16xf32, #tpu.memory_space<vmem>>) target(%dma_start3A_349 : memref<16xf32, #tpu.memory_space<hbm>>) target_semaphore(%run_scoped3A_344 : memref<!tpu.dma_semaphore, #tpu.memory_space<semaphore_mem>>)
      %dma_wait3A = arith.constant 0 : i32
      %dma_wait3A_350 = tpu.memref_slice %arg6[%run_scoped3A_341, %add3A, %dma_wait3A] : memref<4x32x16xf32, #tpu.memory_space<hbm>> -> memref<1x1x16xf32, #tpu.memory_space<hbm>>
      %dma_wait3A_351 = tpu.memref_squeeze %dma_wait3A_350 : memref<1x1x16xf32, #tpu.memory_space<hbm>> -> memref<16xf32, #tpu.memory_space<hbm>>
      %dma_wait3A_352 = arith.constant 0 : i32
      %dma_wait3A_353 = tpu.memref_slice %arg6[%run_scoped3A_341, %add3A, %dma_wait3A_352] : memref<4x32x16xf32, #tpu.memory_space<hbm>> -> memref<1x1x16xf32, #tpu.memory_space<hbm>>
      %dma_wait3A_354 = tpu.memref_squeeze %dma_wait3A_353 : memref<1x1x16xf32, #tpu.memory_space<hbm>> -> memref<16xf32, #tpu.memory_space<hbm>>
      tpu.wait_dma2 semaphore(%run_scoped3A_344 : memref<!tpu.dma_semaphore, #tpu.memory_space<semaphore_mem>>) src(%arg17 : memref<16xf32, #tpu.memory_space<vmem>>) dst(%dma_wait3A_354 : memref<16xf32, #tpu.memory_space<hbm>>)
      tpu.yield
    }) : () -> ()
    %run_scoped3A_342 = arith.constant 2 : i32
    "tpu.region"() ({
      %run_scoped3A_344 = tpu.sem_alloc : memref<!tpu.dma_semaphore, #tpu.memory_space<semaphore_mem>>
      %dma_start3A = arith.constant 0 : i32
      %dma_start3A_345 = tpu.memref_slice %arg6[%run_scoped3A_342, %add3A, %dma_start3A] : memref<4x32x16xf32, #tpu.memory_space<hbm>> -> memref<1x1x16xf32, #tpu.memory_space<hbm>>
      %dma_start3A_346 = tpu.memref_squeeze %dma_start3A_345 : memref<1x1x16xf32, #tpu.memory_space<hbm>> -> memref<16xf32, #tpu.memory_space<hbm>>
      %dma_start3A_347 = arith.constant 0 : i32
      %dma_start3A_348 = tpu.memref_slice %arg6[%run_scoped3A_342, %add3A, %dma_start3A_347] : memref<4x32x16xf32, #tpu.memory_space<hbm>> -> memref<1x1x16xf32, #tpu.memory_space<hbm>>
      %dma_start3A_349 = tpu.memref_squeeze %dma_start3A_348 : memref<1x1x16xf32, #tpu.memory_space<hbm>> -> memref<16xf32, #tpu.memory_space<hbm>>
      tpu.enqueue_dma source(%arg18 : memref<16xf32, #tpu.memory_space<vmem>>) target(%dma_start3A_349 : memref<16xf32, #tpu.memory_space<hbm>>) target_semaphore(%run_scoped3A_344 : memref<!tpu.dma_semaphore, #tpu.memory_space<semaphore_mem>>)
      %dma_wait3A = arith.constant 0 : i32
      %dma_wait3A_350 = tpu.memref_slice %arg6[%run_scoped3A_342, %add3A, %dma_wait3A] : memref<4x32x16xf32, #tpu.memory_space<hbm>> -> memref<1x1x16xf32, #tpu.memory_space<hbm>>
      %dma_wait3A_351 = tpu.memref_squeeze %dma_wait3A_350 : memref<1x1x16xf32, #tpu.memory_space<hbm>> -> memref<16xf32, #tpu.memory_space<hbm>>
      %dma_wait3A_352 = arith.constant 0 : i32
      %dma_wait3A_353 = tpu.memref_slice %arg6[%run_scoped3A_342, %add3A, %dma_wait3A_352] : memref<4x32x16xf32, #tpu.memory_space<hbm>> -> memref<1x1x16xf32, #tpu.memory_space<hbm>>
      %dma_wait3A_354 = tpu.memref_squeeze %dma_wait3A_353 : memref<1x1x16xf32, #tpu.memory_space<hbm>> -> memref<16xf32, #tpu.memory_space<hbm>>
      tpu.wait_dma2 semaphore(%run_scoped3A_344 : memref<!tpu.dma_semaphore, #tpu.memory_space<semaphore_mem>>) src(%arg18 : memref<16xf32, #tpu.memory_space<vmem>>) dst(%dma_wait3A_354 : memref<16xf32, #tpu.memory_space<hbm>>)
      tpu.yield
    }) : () -> ()
    %run_scoped3A_343 = arith.constant 3 : i32
    "tpu.region"() ({
      %run_scoped3A_344 = tpu.sem_alloc : memref<!tpu.dma_semaphore, #tpu.memory_space<semaphore_mem>>
      %dma_start3A = arith.constant 0 : i32
      %dma_start3A_345 = tpu.memref_slice %arg6[%run_scoped3A_343, %add3A, %dma_start3A] : memref<4x32x16xf32, #tpu.memory_space<hbm>> -> memref<1x1x16xf32, #tpu.memory_space<hbm>>
      %dma_start3A_346 = tpu.memref_squeeze %dma_start3A_345 : memref<1x1x16xf32, #tpu.memory_space<hbm>> -> memref<16xf32, #tpu.memory_space<hbm>>
      %dma_start3A_347 = arith.constant 0 : i32
      %dma_start3A_348 = tpu.memref_slice %arg6[%run_scoped3A_343, %add3A, %dma_start3A_347] : memref<4x32x16xf32, #tpu.memory_space<hbm>> -> memref<1x1x16xf32, #tpu.memory_space<hbm>>
      %dma_start3A_349 = tpu.memref_squeeze %dma_start3A_348 : memref<1x1x16xf32, #tpu.memory_space<hbm>> -> memref<16xf32, #tpu.memory_space<hbm>>
      tpu.enqueue_dma source(%arg19 : memref<16xf32, #tpu.memory_space<vmem>>) target(%dma_start3A_349 : memref<16xf32, #tpu.memory_space<hbm>>) target_semaphore(%run_scoped3A_344 : memref<!tpu.dma_semaphore, #tpu.memory_space<semaphore_mem>>)
      %dma_wait3A = arith.constant 0 : i32
      %dma_wait3A_350 = tpu.memref_slice %arg6[%run_scoped3A_343, %add3A, %dma_wait3A] : memref<4x32x16xf32, #tpu.memory_space<hbm>> -> memref<1x1x16xf32, #tpu.memory_space<hbm>>
      %dma_wait3A_351 = tpu.memref_squeeze %dma_wait3A_350 : memref<1x1x16xf32, #tpu.memory_space<hbm>> -> memref<16xf32, #tpu.memory_space<hbm>>
      %dma_wait3A_352 = arith.constant 0 : i32
      %dma_wait3A_353 = tpu.memref_slice %arg6[%run_scoped3A_343, %add3A, %dma_wait3A_352] : memref<4x32x16xf32, #tpu.memory_space<hbm>> -> memref<1x1x16xf32, #tpu.memory_space<hbm>>
      %dma_wait3A_354 = tpu.memref_squeeze %dma_wait3A_353 : memref<1x1x16xf32, #tpu.memory_space<hbm>> -> memref<16xf32, #tpu.memory_space<hbm>>
      tpu.wait_dma2 semaphore(%run_scoped3A_344 : memref<!tpu.dma_semaphore, #tpu.memory_space<semaphore_mem>>) src(%arg19 : memref<16xf32, #tpu.memory_space<vmem>>) dst(%dma_wait3A_354 : memref<16xf32, #tpu.memory_space<hbm>>)
      tpu.yield
    }) : () -> ()
    return
  }
}

module attributes {stable_mosaic.version = 14 : i64} {
  func.func @_fin_body(%arg0: memref<4x32x16xf32, #tpu.memory_space<vmem>>, %arg1: memref<1x1xf32, #tpu.memory_space<vmem>>, %arg2: memref<1x1xf32, #tpu.memory_space<vmem>>) attributes {dimension_semantics = [], scalar_prefetch = 0 : i64, scratch_operands = 0 : i64, tpu.core_type = #tpu.core_type<tc>} {
    %get3A = arith.constant 0 : index
    %get3A_0 = arith.constant 0 : index
    %get3A_1 = arith.constant 0 : index
    %get3A_2 = vector.load %arg0[%get3A, %get3A_0, %get3A_1] : memref<4x32x16xf32, #tpu.memory_space<vmem>>, vector<4x32x16xf32>
    %reduce_sum3A = arith.constant dense<0.000000e+00> : vector<4x16xf32>
    %reduce_sum3A_3 = vector.multi_reduction <add>, %get3A_2, %reduce_sum3A [1] : vector<4x32x16xf32> to vector<4x16xf32>
    %slice3A = vector.extract_strided_slice %reduce_sum3A_3 {offsets = [0, 0], sizes = [1, 16], strides = [1, 1]} : vector<4x16xf32> to vector<1x16xf32>
    %squeeze3A = vector.shape_cast %slice3A : vector<1x16xf32> to vector<16xf32>
    %slice3A_4 = vector.extract_strided_slice %reduce_sum3A_3 {offsets = [1, 0], sizes = [1, 16], strides = [1, 1]} : vector<4x16xf32> to vector<1x16xf32>
    %squeeze3A_5 = vector.shape_cast %slice3A_4 : vector<1x16xf32> to vector<16xf32>
    %div3A = arith.divf %squeeze3A, %squeeze3A_5 : vector<16xf32>
    %reduce_sum3A_6 = vector.shape_cast %div3A : vector<16xf32> to vector<1x16xf32>
    %reduce_sum3A_7 = arith.constant dense<0.000000e+00> : vector<1xf32>
    %reduce_sum3A_8 = vector.multi_reduction <add>, %reduce_sum3A_6, %reduce_sum3A_7 [1] : vector<1x16xf32> to vector<1xf32>
    %reduce_sum3A_9 = vector.shape_cast %reduce_sum3A_8 : vector<1xf32> to vector<1x1xf32>
    %reduce_sum3A_10 = vector.extract %reduce_sum3A_9[0, 0] : f32 from vector<1x1xf32>
    %mul3A = arith.constant 6.250000e-02 : f32
    %mul3A_11 = arith.mulf %reduce_sum3A_10, %mul3A : f32
    %slice3A_12 = vector.extract_strided_slice %reduce_sum3A_3 {offsets = [2, 0], sizes = [1, 16], strides = [1, 1]} : vector<4x16xf32> to vector<1x16xf32>
    %squeeze3A_13 = vector.shape_cast %slice3A_12 : vector<1x16xf32> to vector<16xf32>
    %slice3A_14 = vector.extract_strided_slice %reduce_sum3A_3 {offsets = [3, 0], sizes = [1, 16], strides = [1, 1]} : vector<4x16xf32> to vector<1x16xf32>
    %squeeze3A_15 = vector.shape_cast %slice3A_14 : vector<1x16xf32> to vector<16xf32>
    %div3A_16 = arith.divf %squeeze3A_13, %squeeze3A_15 : vector<16xf32>
    %reduce_sum3A_17 = vector.shape_cast %div3A_16 : vector<16xf32> to vector<1x16xf32>
    %reduce_sum3A_18 = arith.constant dense<0.000000e+00> : vector<1xf32>
    %reduce_sum3A_19 = vector.multi_reduction <add>, %reduce_sum3A_17, %reduce_sum3A_18 [1] : vector<1x16xf32> to vector<1xf32>
    %reduce_sum3A_20 = vector.shape_cast %reduce_sum3A_19 : vector<1xf32> to vector<1x1xf32>
    %reduce_sum3A_21 = vector.extract %reduce_sum3A_20[0, 0] : f32 from vector<1x1xf32>
    %mul3A_22 = arith.constant 6.250000e-02 : f32
    %mul3A_23 = arith.mulf %reduce_sum3A_21, %mul3A_22 : f32
    %broadcast_in_dim3A = vector.broadcast %mul3A_11 : f32 to vector<1x1xf32>
    %swap3A = arith.constant 0 : index
    %swap3A_24 = arith.constant 0 : index
    %swap3A_25 = vector.load %arg1[%swap3A, %swap3A_24] : memref<1x1xf32, #tpu.memory_space<vmem>>, vector<1x1xf32>
    tpu.vector_store %arg1[%swap3A, %swap3A_24], %broadcast_in_dim3A {strides = array<i32>} : memref<1x1xf32, #tpu.memory_space<vmem>>, vector<1x1xf32>,
    %broadcast_in_dim3A_26 = vector.broadcast %mul3A_23 : f32 to vector<1x1xf32>
    %swap3A_27 = arith.constant 0 : index
    %swap3A_28 = arith.constant 0 : index
    %swap3A_29 = vector.load %arg2[%swap3A_27, %swap3A_28] : memref<1x1xf32, #tpu.memory_space<vmem>>, vector<1x1xf32>
    tpu.vector_store %arg2[%swap3A_27, %swap3A_28], %broadcast_in_dim3A_26 {strides = array<i32>} : memref<1x1xf32, #tpu.memory_space<vmem>>, vector<1x1xf32>,
    return
  }
}

</mosaic_0001>

<sc_bundles>
// kernel: kernel.4.cloned.1.call-start
scs
__scs_entry_jumppad:
0x0: {  	(pc) =	sbr.rel $0x88, $3  }
0x1: {  	(tag) =	ssettag $0x0;
	lr =	simm.s32 $0x1  }
0x2: {  	[smem:$0x3F9D] =	sst lr;
	_ =	strace $0xD0000000  }
0x3: {  	_ = 	snop  }
0x4: {  	_ = 	snop  }
0x5: {  	_ = 	snop  }
0x6: {  	_ = 	snop  }
0x7: {  	_ = 	snop  }
__scs_overlays_trampoline_lowered:
0x8: {  	[smem:$0x3FAC] =	sst s0  }
0x9: {  	[smem:$0x3FAD] =	sst s1  }
0xa: {  	[smem:$0x3FAE] =	sst s2  }
0xb: {  	[smem:$0x3FAF] =	sst s3  }
0xc: {  	[smem:$0x3FB0] =	sst s4  }
0xd: {  	[smem:$0x3FB1] =	sst s5  }
0xe: {  	[smem:$0x3FB2] =	sst s6  }
0xf: {  	[smem:$0x3FB3] =	sst s7  }
0x10: {  	[smem:$0x3FB4] =	sst s8  }
0x11: {  	[smem:$0x3FB5] =	sst s9;
	s0 =	simm.s32 @!p0 $0x0  }
0x12: {  	s1 =	sld [smem:$0x3F9B];
	s0 =	simm.s32 @p0 $0x1  }
0x13: {  	[smem:$0x3FB6] =	sst s0;
	s0 =	simm.s32 @!p1 $0x0  }
0x14: {  	s2 =	sld [smem:$0x3F9A];
	s0 =	simm.s32 @p1 $0x1  }
0x15: {  	[smem:$0x3FB7] =	sst s0;
	s0 =	simm.s32 @!p2 $0x0  }
0x16: {  	s3 =	sld [smem:$0x3FDB];
	s0 =	simm.s32 @p2 $0x1  }
0x17: {  	s4 =	simm.s32 $0x1BF5;
	[smem:$0x3FB9] =	sst s0  }
0x18: {  	s0 =	sld [smem:$0x3F9C];
	_ =	swait.ge [sflag:s4], $0x0  }
0x19: {  	s7 =	sld [smem:$0x3F9D]  }
0x1a: {  	s8 =	sadd.s32 $0xFFFFE003, lr  }
0x1b: {  	s9 =	sadd.s32 $0xFFFFFEF7, lr;
	s5 =	simm.s32 $0xFFFFFFFF;
	p2 =	slt.u32 s8, $0xFFFFF086  }
0x1c: {  	p1 =	slt.u32 s9, $0xF7A;
	s5 =	simm.s32 @!p2 $0x0  }
0x1d: {  	s5 =	simm.s32 @p1 $0x1;
	p0 =	seq.s32 s7, s2  }
0x1e: {  	s7 =	smul.u32 @!p0 $0xF7A, s2;
	p2 =	seq.s32 @!p0 s5, $0x0  }
0x1f: {  	s9 =	smul.u32 $0xF7A, s1;
	s8 =	simm.s32 @!p0 $0x1BF5;
	p2 =	por !p2, p0  }
0x20: {  	[sflag:s8] =	ssyncset.s32 @!p0 $0xFFFFF086;
	s6 =	sadd.s32 @!p0 s3, s7;
	s7 =	simm.s32 @!p0 $0x108  }
0x21: {  	s3 =	sadd.s32 s3, s9;
	s6 =	sadd.s32 @!p0 $0x88, s6;
	s7 =	simm.s32 @p2 $0x1082  }
0x22: {  	[simem:s7], [sflag:s8] =	dma.local @!p0 [hbm:s6], $0xF7A  }
0x23: {  	s9 =	sor.u32 $0xD0000000, s2;
	s6 =	simm.s32 $0x108;
	_ =	swait.ge @!p0 [sflag:s8], $0x0  }
0x24: {  	s3 =	sadd.s32 $0x88, s3;
	s6 =	simm.s32 @!p1 $0x1082;
	[sflag:s4] =	ssyncset.s32 $0xFFFFF086  }
0x25: {  	[simem:s6], [sflag:s4] =	dma.local [hbm:s3], $0xF7A  }
0x26: {  	[smem:$0x3F9D] =	sst s1;
	(tag) =	ssettag s2;
	_ =	strace s9  }
0x27: {  	s1 =	sld [smem:$0x3FAD]  }
0x28: {  	s2 =	sld [smem:$0x3FAE]  }
0x29: {  	s4 =	sld [smem:$0x3FB0]  }
0x2a: {  	p0 =	seq.s32 s5, $0x0;
	s5 =	sld [smem:$0x3FB1]  }
0x2b: {  	s6 =	sld [smem:$0x3FB2]  }
0x2c: {  	s7 =	sld [smem:$0x3FB3]  }
0x2d: {  	s3 =	simm.s32 $0x108;
	s8 =	sld [smem:$0x3FB4]  }
0x2e: {  	s3 =	simm.s32 @!p0 $0x1082;
	s9 =	sld [smem:$0x3FB5]  }
0x2f: {  	lr =	sadd.s32 s0, s3;
	s0 =	sld [smem:$0x3FAC]  }
0x30: {  	s3 =	sld [smem:$0x3FAF]  }
0x31: {  	[smem:$0x3FB8] =	sst s10  }
0x32: {  	s10 =	sld [smem:$0x3FB6];
	_ =	sdelay $0x3  }
0x33: {  	p0 =	seq.s32 s10, $0x1;
	s10 =	sld [smem:$0x3FB8];
	_ =	sdelay $0x3  }
0x34: {  	[smem:$0x3FB8] =	sst s10  }
0x35: {  	s10 =	sld [smem:$0x3FB7];
	_ =	sdelay $0x3  }
0x36: {  	p1 =	seq.s32 s10, $0x1;
	s10 =	sld [smem:$0x3FB8];
	_ =	sdelay $0x3  }
0x37: {  	[smem:$0x3FB8] =	sst s10  }
0x38: {  	s10 =	sld [smem:$0x3FB9]  }
0x39: {  	_ = 	snop;
	(pc) =	sbr.ind lr, $3  }
0x3a: {  	_ = 	snop  }
0x3b: {  	_ = 	snop  }
0x3c: {  	p2 =	seq.s32 s10, $0x1;
	s10 =	sld [smem:$0x3FB8]  }
0x3d: {  	_ =	shalt  }
0x3e: {  	_ =	shalt  }
0x3f: {  	_ =	shalt  }
0x40: {  	_ =	shalt  }
0x41: {  	_ =	shalt  }
0x42: {  	_ =	shalt  }
0x43: {  	_ =	shalt  }
0x44: {  	_ =	shalt  }
0x45: {  	_ =	shalt  }
0x46: {  	_ =	shalt  }
0x47: {  	_ =	shalt  }
0x48: {  	_ =	shalt  }
0x49: {  	_ =	shalt  }
0x4a: {  	_ =	shalt  }
0x4b: {  	_ =	shalt  }
0x4c: {  	_ =	shalt  }
0x4d: {  	_ =	shalt  }
0x4e: {  	_ =	shalt  }
0x4f: {  	_ =	shalt  }
0x50: {  	_ =	shalt  }
0x51: {  	_ =	shalt  }
0x52: {  	_ =	shalt  }
0x53: {  	_ =	shalt  }
0x54: {  	_ =	shalt  }
0x55: {  	_ =	shalt  }
0x56: {  	_ =	shalt  }
0x57: {  	_ =	shalt  }
0x58: {  	_ =	shalt  }
0x59: {  	_ =	shalt  }
0x5a: {  	_ =	shalt  }
0x5b: {  	_ =	shalt  }
0x5c: {  	_ =	shalt  }
0x5d: {  	_ =	shalt  }
0x5e: {  	_ =	shalt  }
0x5f: {  	_ =	shalt  }
0x60: {  	_ =	shalt  }
0x61: {  	_ =	shalt  }
0x62: {  	_ =	shalt  }
0x63: {  	_ =	shalt  }
0x64: {  	_ =	shalt  }
0x65: {  	_ =	shalt  }
0x66: {  	_ =	shalt  }
0x67: {  	_ =	shalt  }
0x68: {  	_ =	shalt  }
0x69: {  	_ =	shalt  }
0x6a: {  	_ =	shalt  }
0x6b: {  	_ =	shalt  }
0x6c: {  	_ =	shalt  }
0x6d: {  	_ =	shalt  }
0x6e: {  	_ =	shalt  }
0x6f: {  	_ =	shalt  }
0x70: {  	_ =	shalt  }
0x71: {  	_ =	shalt  }
0x72: {  	_ =	shalt  }
0x73: {  	_ =	shalt  }
0x74: {  	_ =	shalt  }
0x75: {  	_ =	shalt  }
0x76: {  	_ =	shalt  }
0x77: {  	_ =	shalt  }
0x78: {  	_ =	shalt  }
0x79: {  	_ =	shalt  }
0x7a: {  	_ =	shalt  }
0x7b: {  	_ =	shalt  }
0x7c: {  	_ =	shalt  }
0x7d: {  	_ =	shalt  }
0x7e: {  	_ =	shalt  }
0x7f: {  	_ =	shalt  }
0x80: {  	_ =	shalt  }
0x81: {  	_ =	shalt  }
0x82: {  	_ =	shalt  }
0x83: {  	_ =	shalt  }
0x84: {  	_ =	shalt  }
0x85: {  	_ =	shalt  }
0x86: {  	_ =	shalt  }
0x87: {  	_ =	shalt  }
.Lfunc_end0:
.L_simem_size_0:
called_computation_lowered:
.L_overlay_start_0:
0x88: {  	s2 =	sld [smem:$0x3FD9]  }
0x89: {  	s3 =	sld [smem:$0x3FFE];
	_ =	sdelay $0x1  }
0x8a: {  	s1 =	srdreg.scid  }
0x8b: {  	s0 =	sand.u32 $0x1, s1  }
0x8c: {  	s14 =	sshll.u32 s0, $0xA;
	s2 =	sadd.s32 s3, s2  }
0x8d: {  	s2 =	sadd.s32 s2, s14  }
0x8e: {  	[smem:$0x3FC4] =	sst s2  }
0x8f: {  	_ = 	snop  }
0x90: {  	s2 =	sld [smem:$0x3FD0];
	_ =	sdelay $0x1  }
0x91: {  	s15 =	sld [smem:$0x3FC9]  }
0x92: {  	s5 =	simm.s32 $0xA;
	s6 =	simm.s32 $0x10;
	s4 =	sld [smem:$0x3FC7]  }
0x93: {  	[smem:s6], [sflag:s5] =	dma.local [hbm:s2], $0x1  }
0x94: {  	_ =	swait.eq [sflag:s5], $0x1  }
0x95: {  	[sflag:s5] =	ssyncset.done $0x0  }
0x96: {  	[sflag:s5] =	ssyncadd.s32 $0xFFFFFFFF  }
0x97: {  	s16 =	sld [smem:$0x11];
	(tm) =	ssettm $0x1  }
0x98: {  	s17 =	sld [smem:$0x3FFB];
	_ =	sdelay $0x3  }
0x99: {  	_ =	strace s17  }
0x9a: {  	s5 =	sld [smem:$0x3FFC];
	_ =	sdelay $0x3  }
0x9b: {  	_ =	strace s5  }
0x9c: {  	s5 =	sld [smem:$0x3FFD];
	_ =	sdelay $0x3  }
0x9d: {  	_ =	strace s5  }
0x9e: {  	_ =	strace $0x8FFFFFFF  }
0x9f: {  	s18 =	sld [smem:$0x3FDB];
	_ =	sdelay $0x1  }
0xa0: {  	s19 =	simm.s32 $_scs_section_size  }
0xa1: {  	s7 =	simm.s32 $_size__tile_overlayer_lowered;
	s8 =	simm.s32 $_tile_overlayer_lowered  }
0xa2: {  	s22 =	simm.s32 $0x1BFF;
	s21 =	sshll.u32 s8, $0x1;
	s5 =	sadd.s32 s19, s18  }
0xa3: {  	s9 =	simm.s32 $0x0;
	s20 =	sshll.u32 s7, $0x1;
	s7 =	sadd.s32 s21, s5  }
0xa4: {  	[timem:s9], [sflag:s22] =	dma.local [hbm:s7], s20  }
0xa5: {  	_ =	swait.ge [sflag:s22], s20  }
0xa6: {  	s6 =	ssub.s32 $0x0, s20;
	[sflag:s22] =	ssyncset.done $0x0  }
0xa7: {  	[sflag:s22] =	ssyncadd.s32 s6;
	_ =	sdelay $0x1  }
0xa8: {  	s23 =	simm.s32 $0x1B8B  }
0xa9: {  	_ =	swait.ge [sflag:s23], $0x1  }
0xaa: {  	[sflag:s23] =	ssyncset.done $0x0  }
0xab: {  	s25 =	simm.s32 $0x1B8E;
	s24 =	sld [smem:$0x3FFE];
	[sflag:s23] =	ssyncadd.s32 $0xFFFFFFFF  }
0xac: {  	s26 =	simm.s32 $execute0_lowered;
	[smem:$0x3FD2] =	sst s25  }
0xad: {  	s7 =	sshll.u32 s26, $0x1;
	_ =	strace $0x80000046;
	[dreg:$0x1] =	wrdreg $0xFFFFFFFF  }
0xae: {  	s28 =	simm.s32 $_size_execute0_lowered;
	s5 =	sadd.s32 s5, s7;
	[dreg:$0x0] =	wrdreg $0x0  }
0xaf: {  	s7 =	sshll.u32 s28, $0x1;
	[dreg:$0x2] =	wrdreg s5  }
0xb0: {  	[dreg:$0x3] =	wrdreg s7  }
0xb1: {  	[dreg:$0x4] =	wrdreg $0xC0  }
0xb2: {  	_ =	task [dreg:s9], $0x5FFFF  }
0xb3: {  	[dreg:$0x1] =	wrdreg $0xFFFFFFFF  }
0xb4: {  	[dreg:$0x0] =	wrdreg $0x60  }
0xb5: {  	[dreg:$0x2] =	wrdreg s24  }
0xb6: {  	[dreg:$0x3] =	wrdreg s15  }
0xb7: {  	[dreg:$0x4] =	wrdreg s4  }
0xb8: {  	[dreg:$0x5] =	wrdreg s16  }
0xb9: {  	[dreg:$0x6] =	wrdreg $0x9  }
0xba: {  	_ =	task.clear_ibuf [dreg:s9], $0x7FFFF;
	_ =	strace $0x90000046  }
0xbb: {  	s29 =	simm.s32 $0x9;
	_ =	strace $0x80000048  }
0xbc: {  	_ =	swait.ge [sflag:s29], $0x1  }
0xbd: {  	[sflag:s29] =	ssyncadd.s32 $0xFFFFFFFF  }
0xbe: {  	_ =	strace $0x90000048  }
0xbf: {  	_ =	sfence  }
0xc0: {  	s30 =	sld [smem:$0x0];
	_ =	sdelay $0x2  }
0xc1: {  	s31 =	sshll.u32 s1, $0xD;
	s1 =	sshrl.u32 s1, $0x2  }
0xc2: {  	s3 =	sand.u32 $0x4000, s31;
	s1 =	sadd.s32 s1, s30  }
0xc3: {  	s0 =	sor.u32 s3, s0;
	s1 =	sshll.u32 s1, $0x11  }
0xc4: {  	s0 =	sor.u32 s1, s0  }
0xc5: {  	s0 =	sadd.s32 $0x8F2B, s0  }
0xc6: {  	[sflag:s0] =	ssyncadd.remote.s32 $0x1  }
0xc7: {  	_ =	sfence.sel $0xFFFF  }
0xc8: {  	[dreg:$0x0] =	wrdreg $0xFFFFFFFF;
	(pc) =	sbr.abs _section_cstart, $3  }
0xc9: {  	[dreg:$0x1] =	wrdreg $0xFFFFFFFF  }
0xca: {  	_ =	task.clear_ibuf [dreg:s9], $0x2FFFF;
	_ =	strace $0x9FFFFFFF  }
0xcb: {  	(tm) =	ssettm $0x7FFFFFFF  }
tec
execute0_lowered:
.L_overlay_start_1:
0x0: {  	(tag) =	ssettag $0x1  }
0x1: {  	s0 =	rddreg [dreg:$0x0]  }
0x2: {  	s1 =	rddreg [dreg:$0x2]  }
0x3: {  	s3 =	rddreg [dreg:$0x3]  }
0x4: {  	s2 =	srdreg.scid;
	s12 =	stileid.u32;
	s4 =	simm.s32 $0x0  }
0x5: {  	s13 =	simm.s32 $0x5000;
	s14 =	simm.s32 $0x1;
	s15 =	simm.s32 $0x4600  }
0x6: {  	v0 =	vlaneseq.u32;
	v2 =	vimm.f32 $0.0e+00;
	s16 =	simm.s32 $0x2000;
	s17 =	simm.s32 $0x200;
	s18 =	simm.s32 $0x4200  }
0x7: {  	v18 =	vimm.s32 $0x0;
	v19 =	vimm.f32 $1.000000000e+00;
	s19 =	simm.s32 $0x4400;
	s20 =	simm.s32 $0x4800;
	s21 =	simm.s32 $0x4980;
	v1 =	vmul.u32 $0x11, v0  }
0x8: {  	s22 =	simm.s32 $0x4B00;
	s23 =	simm.s32 $0x4C80;
	s24 =	simm.s32 $0x4E00;
	v20 =	vadd.s32 $0x11, v0;
	v28 =	vadd.s32 $0x99, v0;
	v29 =	vadd.s32 $0xAA, v0  }
0x9: {  	s25 =	simm.s32 $0x4E80;
	s28 =	simm.s32 $0x4F80;
	[smem:$0x7FF] =	sst s4;
	v30 =	vadd.s32 $0xBB, v0;
	v31 =	vadd.s32 $0xCC, v0;
	v32 =	vadd.s32 $0xDD, v0  }
0xa: {  	s2 =	sand.u32 $0x1, s2;
	s5 =	sshll.u32 s12, $0x1;
	v33 =	vadd.s32 $0xEE, v0;
	v34 =	vadd.s32 $0xFF, v0;
	_ =	strace $0x80000047;
	[tilespmem:$0x1FF80] =	vst v20;
	v20 =	vadd.s32 $0x22, v0  }
0xb: {  	s29 =	simm.s32 $0x0;
	s30 =	sshll.u32 s12, $0xA;
	s5 =	sor.u32 s2, s5;
	v3 =	vadd.s32 $0x1, v1;
	v4 =	vadd.s32 $0x2, v1;
	[tilespmem:$0x1FF90] =	vst v20;
	v20 =	vadd.s32 $0x33, v0  }
0xc: {  	s8 =	ssub.s32 $0x2, s2;
	s31 =	sshll.u32 s2, $0x9;
	s6 =	sshll.u32 s5, $0xA;
	v5 =	vadd.s32 $0x3, v1;
	v6 =	vadd.s32 $0x4, v1;
	[tilespmem:$0x1FFA0] =	vst v20;
	v20 =	vadd.s32 $0x44, v0  }
0xd: {  	s7 =	sshll.u32 s5, $0x4;
	s26 =	sshrl.u32 s8, $0x1;
	s9 =	sshll.u32 s5, $0x6;
	v7 =	vadd.s32 $0x5, v1;
	v8 =	vadd.s32 $0x6, v1;
	[tilespmem:$0x1FFB0] =	vst v20;
	v20 =	vadd.s32 $0x55, v0  }
0xe: {  	v9 =	vadd.s32 $0x7, v1;
	v10 =	vadd.s32 $0x8, v1;
	s12 =	sor.u32 s31, s30;
	s6 =	sadd.s32 s6, s0;
	s0 =	sadd.s32 s7, s0;
	[tilespmem:$0x1FFC0] =	vst v20;
	v20 =	vadd.s32 $0x66, v0  }
0xf: {  	v11 =	vadd.s32 $0x9, v1;
	v12 =	vadd.s32 $0xA, v1;
	s11 =	ssub.s32 s8, s26;
	s26 =	simm.s32 $0x4F00;
	s5 =	sadd.s32 $0x800, s6;
	[tilespmem:$0x1FFD0] =	vst v20;
	v20 =	vadd.s32 $0x77, v0  }
0x10: {  	v13 =	vadd.s32 $0xB, v1;
	v14 =	vadd.s32 $0xC, v1;
	s6 =	sadd.s32 s1, s9;
	s7 =	sadd.s32 $0x8800, s0;
	s8 =	sadd.s32 $0x8A00, s0;
	[tilespmem:$0x1FFE0] =	vst v20;
	v20 =	vadd.s32 $0x88, v0  }
0x11: {  	v15 =	vadd.s32 $0xD, v1;
	v16 =	vadd.s32 $0xE, v1;
	v17 =	vadd.s32 $0xF, v1;
	s9 =	sadd.s32 $0x8C00, s0;
	s10 =	sadd.s32 $0x8E00, s0;
	s11 =	smax.u32 s11, $0x1;
	[tilespmem:$0x1FFF0] =	vst v20  }
.LBB2_1:
0x12: {  	[tilespmem:s13], [sflag:$0x1] =	stream.linear.gather [hbm4b:s3+s4], $0x80, $0x38;
	[tilespmem:$0x5080] =	vst v63  }
0x13: {  	_ =	swait.ge [sflag:s14], $0x80  }
0x14: {  	[sflag:s14] =	ssyncset.done $0x0  }
0x15: {  	[sflag:s14] =	ssyncadd.s32 $0xFFFFFF80  }
0x16: {  	[tilespmem:s4], [sflag:$0x1] =	stream.linear.gather [hbm4b:s5+s4], $0x2000, $0x38;
	[tilespmem:$0x5080] =	vst v63  }
0x17: {  	_ =	swait.ge [sflag:s14], $0x2000  }
0x18: {  	[sflag:s14] =	ssyncset.done $0x0  }
0x19: {  	[sflag:s14] =	ssyncadd.s32 $0xFFFFE000  }
0x1a: {  	[tilespmem:s15], [sflag:$0x1] =	stream.linear.gather [hbm4b:s6+s4], $0x200, $0x38;
	[tilespmem:$0x5080] =	vst v63  }
0x1b: {  	_ =	swait.ge [sflag:s14], $0x200  }
0x1c: {  	[sflag:s14] =	ssyncset.done $0x0  }
0x1d: {  	[sflag:s14] =	ssyncadd.s32 $0xFFFFFE00  }
0x1e: {  	[tilespmem:$0x4800] =	vst v2  }
0x1f: {  	[tilespmem:$0x4980] =	vst v2  }
0x20: {  	[tilespmem:$0x4B00] =	vst v2  }
0x21: {  	[tilespmem:$0x4C80] =	vst v2  }
0x22: {  	[tilespmem:$0x4810] =	vst v2  }
0x23: {  	[tilespmem:$0x4990] =	vst v2  }
0x24: {  	[tilespmem:$0x4B10] =	vst v2  }
0x25: {  	[tilespmem:$0x4C90] =	vst v2  }
0x26: {  	[tilespmem:$0x4820] =	vst v2  }
0x27: {  	[tilespmem:$0x49A0] =	vst v2  }
0x28: {  	[tilespmem:$0x4B20] =	vst v2  }
0x29: {  	[tilespmem:$0x4CA0] =	vst v2  }
0x2a: {  	[tilespmem:$0x4830] =	vst v2  }
0x2b: {  	[tilespmem:$0x49B0] =	vst v2  }
0x2c: {  	[tilespmem:$0x4B30] =	vst v2  }
0x2d: {  	[tilespmem:$0x4CB0] =	vst v2  }
0x2e: {  	[tilespmem:$0x4840] =	vst v2  }
0x2f: {  	[tilespmem:$0x49C0] =	vst v2  }
0x30: {  	[tilespmem:$0x4B40] =	vst v2  }
0x31: {  	[tilespmem:$0x4CC0] =	vst v2  }
0x32: {  	[tilespmem:$0x4850] =	vst v2  }
0x33: {  	[tilespmem:$0x49D0] =	vst v2  }
0x34: {  	[tilespmem:$0x4B50] =	vst v2  }
0x35: {  	[tilespmem:$0x4CD0] =	vst v2  }
0x36: {  	[tilespmem:$0x4860] =	vst v2  }
0x37: {  	[tilespmem:$0x49E0] =	vst v2  }
0x38: {  	[tilespmem:$0x4B60] =	vst v2  }
0x39: {  	[tilespmem:$0x4CE0] =	vst v2  }
0x3a: {  	[tilespmem:$0x4870] =	vst v2  }
0x3b: {  	[tilespmem:$0x49F0] =	vst v2  }
0x3c: {  	[tilespmem:$0x4B70] =	vst v2  }
0x3d: {  	[tilespmem:$0x4CF0] =	vst v2  }
0x3e: {  	[tilespmem:$0x4880] =	vst v2  }
0x3f: {  	[tilespmem:$0x4A00] =	vst v2  }
0x40: {  	[tilespmem:$0x4B80] =	vst v2  }
0x41: {  	[tilespmem:$0x4D00] =	vst v2  }
0x42: {  	[tilespmem:$0x4890] =	vst v2  }
0x43: {  	[tilespmem:$0x4A10] =	vst v2  }
0x44: {  	[tilespmem:$0x4B90] =	vst v2  }
0x45: {  	[tilespmem:$0x4D10] =	vst v2  }
0x46: {  	[tilespmem:$0x48A0] =	vst v2  }
0x47: {  	[tilespmem:$0x4A20] =	vst v2  }
0x48: {  	[tilespmem:$0x4BA0] =	vst v2  }
0x49: {  	[tilespmem:$0x4D20] =	vst v2  }
0x4a: {  	[tilespmem:$0x48B0] =	vst v2  }
0x4b: {  	[tilespmem:$0x4A30] =	vst v2  }
0x4c: {  	[tilespmem:$0x4BB0] =	vst v2  }
0x4d: {  	[tilespmem:$0x4D30] =	vst v2  }
0x4e: {  	[tilespmem:$0x48C0] =	vst v2  }
0x4f: {  	[tilespmem:$0x4A40] =	vst v2  }
0x50: {  	[tilespmem:$0x4BC0] =	vst v2  }
0x51: {  	[tilespmem:$0x4D40] =	vst v2  }
0x52: {  	[tilespmem:$0x48D0] =	vst v2  }
0x53: {  	[tilespmem:$0x4A50] =	vst v2  }
0x54: {  	[tilespmem:$0x4BD0] =	vst v2  }
0x55: {  	[tilespmem:$0x4D50] =	vst v2  }
0x56: {  	[tilespmem:$0x48E0] =	vst v2  }
0x57: {  	[tilespmem:$0x4A60] =	vst v2  }
0x58: {  	[tilespmem:$0x4BE0] =	vst v2  }
0x59: {  	[tilespmem:$0x4D60] =	vst v2  }
0x5a: {  	[tilespmem:$0x48F0] =	vst v2  }
0x5b: {  	[tilespmem:$0x4A70] =	vst v2  }
0x5c: {  	[tilespmem:$0x4BF0] =	vst v2  }
0x5d: {  	[tilespmem:$0x4D70] =	vst v2  }
0x5e: {  	[tilespmem:$0x4900] =	vst v2  }
0x5f: {  	[tilespmem:$0x4A80] =	vst v2  }
0x60: {  	[tilespmem:$0x4C00] =	vst v2  }
0x61: {  	[tilespmem:$0x4D80] =	vst v2  }
0x62: {  	s0 =	simm.s32 $0x11;
	v36 =	vadd.s32 s4, v0;
	s1 =	simm.s32 $0x0;
	v35 =	vld [tilespmem:s4+$0x0]  }
.LBB2_2:
0x63: {  	p0 =	sne.s32 s0, $0x21EF  }
.Ltmp0:
0x64: {  	_ = 	snop;
	(pc) =	sbr.rel @p0 .LBB2_2-.Ltmp0, $3  }
0x65: {  	_ =	sdelay $0x1  }
0x66: {  	s1 =	sadd.s32 $0x10, s1;
	s2 =	smov.u32 s0;
	s0 =	sadd.s32 $0x11, s0;
	[tilespmem:v36+s16+$0x0] =	vst.idx.msk $0xffff, v35  }
0x67: {  	v36 =	vadd.s32 s2, v0;
	v35 =	vld [tilespmem:s1+$0x0]  }
0x68: {  	s0 =	simm.s32 $0x0  }
0x69: {  	v37 =	vmov s0  }
0x6a: {  	v37 =	vmul.u32 $0x11, v37;
	_ =	sdelay $0x1  }
0x6b: {  	v37 =	vbroadcast v37, $0x0;
	_ =	sdelay $0x1  }
0x6c: {  	v38 =	vadd.s32 v3, v37  }
0x6d: {  	v39 =	vadd.s32 v1, v37;
	_ =	sdelay $0x1  }
0x6e: {  	v40 =	vadd.s32 v4, v37  }
0x6f: {  	[tilespmem:v36+s16+$0x0] =	vst.idx.msk $0xffff, v35  }
0x70: {  	v54 =	vadd.s32 v5, v37;
	v35 =	vld.idx.msk [tilespmem:v38+s16+$0x0], $0xffff  }
0x71: {  	v55 =	vld.idx.msk [tilespmem:v39+s16+$0x0], $0xffff  }
0x72: {  	v56 =	vadd.s32 v6, v37  }
0x73: {  	v40 =	vld.idx.msk [tilespmem:v40+s16+$0x0], $0xffff  }
0x74: {  	v41 =	vadd.s32 v7, v37  }
0x75: {  	v36 =	vld.idx.msk [tilespmem:v54+s16+$0x0], $0xffff  }
0x76: {  	v42 =	vadd.s32 v8, v37;
	vm0 =	vgt.f32 v35, v55  }
0x77: {  	v39 =	vld.idx.msk [tilespmem:v56+s16+$0x0], $0xffff;
	v35 =	vsel vm0, v35, v55  }
0x78: {  	v57 =	vadd.s32 v9, v37;
	vm1 =	vgt.f32 v40, v35  }
0x79: {  	v41 =	vld.idx.msk [tilespmem:v41+s16+$0x0], $0xffff;
	v35 =	vsel vm1, v40, v35  }
0x7a: {  	v58 =	vadd.s32 v10, v37;
	vm2 =	vgt.f32 v36, v35  }
0x7b: {  	v42 =	vld.idx.msk [tilespmem:v42+s16+$0x0], $0xffff;
	v35 =	vsel vm2, v36, v35  }
0x7c: {  	v59 =	vadd.s32 v11, v37;
	vm3 =	vgt.f32 v39, v35  }
0x7d: {  	v38 =	vld.idx.msk [tilespmem:v57+s16+$0x0], $0xffff;
	v35 =	vsel vm3, v39, v35  }
0x7e: {  	v60 =	vadd.s32 v12, v37;
	vm4 =	vgt.f32 v41, v35  }
0x7f: {  	v40 =	vld.idx.msk [tilespmem:v58+s16+$0x0], $0xffff;
	v35 =	vsel vm4, v41, v35  }
0x80: {  	v61 =	vadd.s32 v13, v37;
	vm5 =	vgt.f32 v42, v35  }
0x81: {  	v36 =	vld.idx.msk [tilespmem:v59+s16+$0x0], $0xffff;
	v35 =	vsel vm5, v42, v35  }
0x82: {  	v62 =	vadd.s32 v14, v37;
	vm6 =	vgt.f32 v38, v35  }
0x83: {  	v39 =	vld.idx.msk [tilespmem:v60+s16+$0x0], $0xffff;
	v35 =	vsel vm6, v38, v35  }
0x84: {  	v63 =	vadd.s32 v15, v37;
	vm7 =	vgt.f32 v40, v35  }
0x85: {  	v21 =	vsel vm0, $0x4000, v18;
	v41 =	vld.idx.msk [tilespmem:v61+s16+$0x0], $0xffff;
	v35 =	vsel vm7, v40, v35  }
0x86: {  	v43 =	vadd.s32 v16, v37;
	v40 =	vsel vm1, $0x8000, v21;
	vm0 =	vgt.f32 v36, v35  }
0x87: {  	v42 =	vld.idx.msk [tilespmem:v62+s16+$0x0], $0xffff;
	v22 =	vsel vm2, $0xC000, v40;
	v35 =	vsel vm0, v36, v35  }
0x88: {  	v37 =	vadd.s32 v17, v37;
	v36 =	vsel vm3, $0x10000, v22;
	vm1 =	vgt.f32 v39, v35  }
0x89: {  	v38 =	vld.idx.msk [tilespmem:v63+s16+$0x0], $0xffff;
	v36 =	vsel vm4, $0x14000, v36;
	v35 =	vsel vm1, v39, v35  }
0x8a: {  	v36 =	vsel vm5, $0x18000, v36;
	vm2 =	vgt.f32 v41, v35  }
0x8b: {  	v23 =	vld.idx.msk [tilespmem:v43+s16+$0x0], $0xffff;
	v36 =	vsel vm6, $0x1C000, v36;
	v35 =	vsel vm2, v41, v35  }
0x8c: {  	s30 =	simm.s32 $0x10;
	v36 =	vsel vm7, $0x20000, v36;
	vm3 =	vgt.f32 v42, v35  }
0x8d: {  	v24 =	vmov s30;
	v37 =	vld.idx.msk [tilespmem:v37+s16+$0x0], $0xffff;
	v36 =	vsel vm0, $0x24000, v36;
	v35 =	vsel vm3, v42, v35  }
0x8e: {  	v40 =	vmul.u32 $0x11, v24;
	v36 =	vsel vm1, $0x28000, v36;
	vm0 =	vgt.f32 v38, v35  }
0x8f: {  	v36 =	vsel vm2, $0x2C000, v36;
	v35 =	vsel vm0, v38, v35  }
0x90: {  	v25 =	vbroadcast v40, $0x0;
	v36 =	vsel vm3, $0x30000, v36;
	vm1 =	vgt.f32 v23, v35  }
0x91: {  	v36 =	vsel vm0, $0x34000, v36;
	v35 =	vsel vm1, v23, v35  }
0x92: {  	v26 =	vadd.s32 v3, v25;
	v42 =	vsel vm1, $0x38000, v36;
	vm0 =	vgt.f32 v37, v35  }
0x93: {  	s2 =	sadd.s32 $0x0, s12;
	v43 =	vadd.s32 v1, v25;
	v35 =	vsel vm0, $0x3C000, v42  }
0x94: {  	v35 =	vadd.s32 s2, v35  }
0x95: {  	s0 =	simm.s32 $0x4200;
	v44 =	vadd.s32 v4, v25;
	v35 =	vadd.s32 v0, v35  }
0x96: {  	[tilespmem:s0+$0x0] =	vst v35  }
0x97: {  	v45 =	vadd.s32 v5, v25;
	v35 =	vld.idx.msk [tilespmem:v26+s16+$0x0], $0xffff  }
0x98: {  	v36 =	vld.idx.msk [tilespmem:v43+s16+$0x0], $0xffff  }
0x99: {  	v40 =	vadd.s32 v6, v25  }
0x9a: {  	v37 =	vld.idx.msk [tilespmem:v44+s16+$0x0], $0xffff  }
0x9b: {  	v46 =	vadd.s32 v7, v25  }
0x9c: {  	v39 =	vld.idx.msk [tilespmem:v45+s16+$0x0], $0xffff  }
0x9d: {  	v47 =	vadd.s32 v8, v25;
	vm0 =	vgt.f32 v35, v36  }
0x9e: {  	v40 =	vld.idx.msk [tilespmem:v40+s16+$0x0], $0xffff;
	v35 =	vsel vm0, v35, v36  }
0x9f: {  	v48 =	vadd.s32 v9, v25;
	vm1 =	vgt.f32 v37, v35  }
0xa0: {  	v41 =	vld.idx.msk [tilespmem:v46+s16+$0x0], $0xffff;
	v35 =	vsel vm1, v37, v35  }
0xa1: {  	v49 =	vadd.s32 v10, v25;
	vm2 =	vgt.f32 v39, v35  }
0xa2: {  	v42 =	vld.idx.msk [tilespmem:v47+s16+$0x0], $0xffff;
	v35 =	vsel vm2, v39, v35  }
0xa3: {  	v50 =	vadd.s32 v11, v25;
	vm3 =	vgt.f32 v40, v35  }
0xa4: {  	v36 =	vld.idx.msk [tilespmem:v48+s16+$0x0], $0xffff;
	v35 =	vsel vm3, v40, v35  }
0xa5: {  	v51 =	vadd.s32 v12, v25;
	vm12 =	vgt.f32 v41, v35  }
0xa6: {  	v37 =	vld.idx.msk [tilespmem:v49+s16+$0x0], $0xffff;
	v35 =	vsel vm12, v41, v35  }
0xa7: {  	v52 =	vadd.s32 v13, v25;
	vm13 =	vgt.f32 v42, v35  }
0xa8: {  	v39 =	vld.idx.msk [tilespmem:v50+s16+$0x0], $0xffff;
	v35 =	vsel vm13, v42, v35  }
0xa9: {  	v53 =	vadd.s32 v14, v25;
	vm14 =	vgt.f32 v36, v35  }
0xaa: {  	v40 =	vld.idx.msk [tilespmem:v51+s16+$0x0], $0xffff;
	v35 =	vsel vm14, v36, v35  }
0xab: {  	v54 =	vadd.s32 v15, v25;
	vm15 =	vgt.f32 v37, v35  }
0xac: {  	v55 =	vsel vm0, $0x4000, v18;
	v41 =	vld.idx.msk [tilespmem:v52+s16+$0x0], $0xffff;
	v35 =	vsel vm15, v37, v35  }
0xad: {  	v57 =	vadd.s32 v16, v25;
	v37 =	vsel vm1, $0x8000, v55;
	vm8 =	vgt.f32 v39, v35  }
0xae: {  	v42 =	vld.idx.msk [tilespmem:v53+s16+$0x0], $0xffff;
	v56 =	vsel vm2, $0xC000, v37;
	v39 =	vsel vm8, v39, v35  }
0xaf: {  	v44 =	vadd.s32 v17, v25;
	v58 =	vsel vm3, $0x10000, v56;
	vm9 =	vgt.f32 v40, v39  }
0xb0: {  	v35 =	vld.idx.msk [tilespmem:v54+s16+$0x0], $0xffff;
	v60 =	vsel vm12, $0x14000, v58;
	v59 =	vsel vm9, v40, v39  }
0xb1: {  	v38 =	vsel vm13, $0x18000, v60;
	vm0 =	vgt.f32 v41, v59  }
0xb2: {  	v36 =	vld.idx.msk [tilespmem:v57+s16+$0x0], $0xffff;
	v61 =	vsel vm14, $0x1C000, v38;
	v39 =	vsel vm0, v41, v59  }
0xb3: {  	s31 =	simm.s32 $0x20;
	v62 =	vsel vm15, $0x20000, v61;
	vm1 =	vgt.f32 v42, v39  }
0xb4: {  	v63 =	vmov s31;
	v37 =	vld.idx.msk [tilespmem:v44+s16+$0x0], $0xffff;
	v40 =	vsel vm8, $0x24000, v62;
	v38 =	vsel vm1, v42, v39  }
0xb5: {  	s2 =	simm.s32 $0x30;
	v39 =	vmul.u32 $0x11, v63;
	v40 =	vsel vm9, $0x28000, v40;
	vm2 =	vgt.f32 v35, v38  }
.LBB2_4:
0xb6: {  	p0 =	sne.s32 s2, $0x1F0;
	v35 =	vsel vm2, v35, v38;
	v38 =	vsel vm0, $0x2C000, v40  }
0xb7: {  	v39 =	vbroadcast v39, $0x0;
	vm0 =	vgt.f32 v36, v35;
	v38 =	vsel vm1, $0x30000, v38  }
0xb8: {  	v35 =	vsel vm0, v36, v35;
	v36 =	vsel vm2, $0x34000, v38  }
0xb9: {  	v38 =	vadd.s32 v3, v39;
	vm1 =	vgt.f32 v37, v35;
	v35 =	vsel vm0, $0x38000, v36  }
0xba: {  	s1 =	sadd.s32 s30, s12;
	s30 =	smov.u32 s31;
	s31 =	smov.u32 s2;
	v36 =	vadd.s32 v1, v39;
	v35 =	vsel vm1, $0x3C000, v35  }
0xbb: {  	v35 =	vadd.s32 s1, v35  }
0xbc: {  	s0 =	sadd.s32 $0x10, s0;
	v37 =	vadd.s32 v4, v39;
	v35 =	vadd.s32 v0, v35  }
0xbd: {  	[tilespmem:s0+$0x0] =	vst v35  }
0xbe: {  	v35 =	vld.idx.msk [tilespmem:v38+s16+$0x0], $0xffff;
	v38 =	vadd.s32 v5, v39  }
0xbf: {  	v36 =	vld.idx.msk [tilespmem:v36+s16+$0x0], $0xffff  }
0xc0: {  	v40 =	vadd.s32 v6, v39  }
0xc1: {  	v37 =	vld.idx.msk [tilespmem:v37+s16+$0x0], $0xffff  }
0xc2: {  	v41 =	vadd.s32 v7, v39  }
0xc3: {  	v38 =	vld.idx.msk [tilespmem:v38+s16+$0x0], $0xffff  }
0xc4: {  	v42 =	vadd.s32 v8, v39  }
0xc5: {  	vm0 =	vgt.f32 v35, v36;
	v40 =	vld.idx.msk [tilespmem:v40+s16+$0x0], $0xffff  }
0xc6: {  	v35 =	vsel vm0, v35, v36;
	v36 =	vadd.s32 v9, v39  }
0xc7: {  	vm1 =	vgt.f32 v37, v35;
	v41 =	vld.idx.msk [tilespmem:v41+s16+$0x0], $0xffff  }
0xc8: {  	v35 =	vsel vm1, v37, v35;
	v37 =	vadd.s32 v10, v39  }
0xc9: {  	vm2 =	vgt.f32 v38, v35;
	v42 =	vld.idx.msk [tilespmem:v42+s16+$0x0], $0xffff  }
0xca: {  	v35 =	vsel vm2, v38, v35;
	v38 =	vadd.s32 v11, v39  }
0xcb: {  	vm3 =	vgt.f32 v40, v35;
	v36 =	vld.idx.msk [tilespmem:v36+s16+$0x0], $0xffff  }
0xcc: {  	v35 =	vsel vm3, v40, v35;
	v40 =	vadd.s32 v12, v39  }
0xcd: {  	vm4 =	vgt.f32 v41, v35;
	v37 =	vld.idx.msk [tilespmem:v37+s16+$0x0], $0xffff  }
0xce: {  	v35 =	vsel vm4, v41, v35;
	v41 =	vadd.s32 v13, v39  }
0xcf: {  	vm5 =	vgt.f32 v42, v35;
	v38 =	vld.idx.msk [tilespmem:v38+s16+$0x0], $0xffff  }
0xd0: {  	v35 =	vsel vm5, v42, v35;
	v42 =	vadd.s32 v14, v39  }
0xd1: {  	vm6 =	vgt.f32 v36, v35;
	v40 =	vld.idx.msk [tilespmem:v40+s16+$0x0], $0xffff  }
0xd2: {  	v35 =	vsel vm6, v36, v35;
	v36 =	vadd.s32 v15, v39  }
0xd3: {  	vm7 =	vgt.f32 v37, v35;
	v41 =	vld.idx.msk [tilespmem:v41+s16+$0x0], $0xffff  }
0xd4: {  	v43 =	vsel vm0, $0x4000, v18;
	v35 =	vsel vm7, v37, v35;
	v37 =	vadd.s32 v16, v39  }
0xd5: {  	v43 =	vsel vm1, $0x8000, v43;
	vm8 =	vgt.f32 v38, v35;
	v42 =	vld.idx.msk [tilespmem:v42+s16+$0x0], $0xffff  }
0xd6: {  	v43 =	vsel vm2, $0xC000, v43;
	v39 =	vadd.s32 v17, v39;
	v38 =	vsel vm8, v38, v35  }
0xd7: {  	vm9 =	vgt.f32 v40, v38;
	v35 =	vld.idx.msk [tilespmem:v36+s16+$0x0], $0xffff;
	v36 =	vsel vm3, $0x10000, v43  }
0xd8: {  	v38 =	vsel vm9, v40, v38;
	v40 =	vsel vm4, $0x14000, v36  }
.Ltmp1:
0xd9: {  	vm0 =	vgt.f32 v41, v38;
	v36 =	vld.idx.msk [tilespmem:v37+s16+$0x0], $0xffff;
	v37 =	vsel vm5, $0x18000, v40;
	(pc) =	sbr.rel @p0 .LBB2_4-.Ltmp1, $4  }
0xda: {  	v38 =	vsel vm0, v41, v38;
	v40 =	vsel vm6, $0x1C000, v37  }
0xdb: {  	vm1 =	vgt.f32 v42, v38;
	v37 =	vld.idx.msk [tilespmem:v39+s16+$0x0], $0xffff;
	v39 =	vsel vm7, $0x20000, v40  }
0xdc: {  	v40 =	vmov s2;
	v38 =	vsel vm1, v42, v38;
	v41 =	vsel vm8, $0x24000, v39  }
0xdd: {  	s2 =	sadd.s32 $0x10, s2;
	v39 =	vmul.u32 $0x11, v40;
	vm2 =	vgt.f32 v35, v38;
	v40 =	vsel vm9, $0x28000, v41  }
0xde: {  	v35 =	vsel vm2, v35, v38;
	v57 =	vsel vm0, $0x2C000, v40  }
0xdf: {  	v39 =	vbroadcast v39, $0x0;
	vm11 =	vgt.f32 v36, v35;
	v38 =	vsel vm1, $0x30000, v57  }
0xe0: {  	v35 =	vsel vm11, v36, v35;
	v58 =	vsel vm2, $0x34000, v38  }
0xe1: {  	v59 =	vadd.s32 v3, v39;
	vm12 =	vgt.f32 v37, v35;
	v60 =	vsel vm11, $0x38000, v58  }
0xe2: {  	s1 =	sadd.s32 s30, s12;
	v61 =	vadd.s32 v1, v39;
	v35 =	vsel vm12, $0x3C000, v60  }
0xe3: {  	v35 =	vadd.s32 s1, v35  }
0xe4: {  	s0 =	sadd.s32 $0x10, s0;
	v62 =	vadd.s32 v4, v39;
	v35 =	vadd.s32 v0, v35  }
0xe5: {  	[tilespmem:s0+$0x0] =	vst v35  }
0xe6: {  	v63 =	vadd.s32 v5, v39;
	v35 =	vld.idx.msk [tilespmem:v59+s16+$0x0], $0xffff  }
0xe7: {  	v36 =	vld.idx.msk [tilespmem:v61+s16+$0x0], $0xffff  }
0xe8: {  	v21 =	vadd.s32 v6, v39  }
0xe9: {  	v37 =	vld.idx.msk [tilespmem:v62+s16+$0x0], $0xffff  }
0xea: {  	v41 =	vadd.s32 v7, v39  }
0xeb: {  	v38 =	vld.idx.msk [tilespmem:v63+s16+$0x0], $0xffff  }
0xec: {  	v42 =	vadd.s32 v8, v39;
	vm13 =	vgt.f32 v35, v36  }
0xed: {  	v40 =	vld.idx.msk [tilespmem:v21+s16+$0x0], $0xffff;
	v35 =	vsel vm13, v35, v36  }
0xee: {  	v22 =	vadd.s32 v9, v39;
	vm14 =	vgt.f32 v37, v35  }
0xef: {  	v41 =	vld.idx.msk [tilespmem:v41+s16+$0x0], $0xffff;
	v35 =	vsel vm14, v37, v35  }
0xf0: {  	v23 =	vadd.s32 v10, v39;
	vm15 =	vgt.f32 v38, v35  }
0xf1: {  	v42 =	vld.idx.msk [tilespmem:v42+s16+$0x0], $0xffff;
	v35 =	vsel vm15, v38, v35  }
0xf2: {  	v24 =	vadd.s32 v11, v39;
	vm3 =	vgt.f32 v40, v35  }
0xf3: {  	v36 =	vld.idx.msk [tilespmem:v22+s16+$0x0], $0xffff;
	v35 =	vsel vm3, v40, v35  }
0xf4: {  	v25 =	vadd.s32 v12, v39;
	vm4 =	vgt.f32 v41, v35  }
0xf5: {  	v37 =	vld.idx.msk [tilespmem:v23+s16+$0x0], $0xffff;
	v35 =	vsel vm4, v41, v35  }
0xf6: {  	v26 =	vadd.s32 v13, v39;
	vm5 =	vgt.f32 v42, v35  }
0xf7: {  	v38 =	vld.idx.msk [tilespmem:v24+s16+$0x0], $0xffff;
	v35 =	vsel vm5, v42, v35  }
0xf8: {  	v45 =	vadd.s32 v14, v39;
	vm6 =	vgt.f32 v36, v35  }
0xf9: {  	v40 =	vld.idx.msk [tilespmem:v25+s16+$0x0], $0xffff;
	v35 =	vsel vm6, v36, v35  }
0xfa: {  	v46 =	vadd.s32 v15, v39;
	vm7 =	vgt.f32 v37, v35  }
0xfb: {  	v47 =	vsel vm13, $0x4000, v18;
	v41 =	vld.idx.msk [tilespmem:v26+s16+$0x0], $0xffff;
	v35 =	vsel vm7, v37, v35  }
0xfc: {  	v43 =	vadd.s32 v16, v39;
	v37 =	vsel vm14, $0x8000, v47;
	vm8 =	vgt.f32 v38, v35  }
0xfd: {  	v42 =	vld.idx.msk [tilespmem:v45+s16+$0x0], $0xffff;
	v37 =	vsel vm15, $0xC000, v37;
	v35 =	vsel vm8, v38, v35  }
0xfe: {  	v48 =	vadd.s32 v17, v39;
	v37 =	vsel vm3, $0x10000, v37;
	vm9 =	vgt.f32 v40, v35  }
0xff: {  	v36 =	vld.idx.msk [tilespmem:v46+s16+$0x0], $0xffff;
	v37 =	vsel vm4, $0x14000, v37;
	v35 =	vsel vm9, v40, v35  }
0x100: {  	v37 =	vsel vm5, $0x18000, v37;
	vm10 =	vgt.f32 v41, v35  }
0x101: {  	v49 =	vld.idx.msk [tilespmem:v43+s16+$0x0], $0xffff;
	v37 =	vsel vm6, $0x1C000, v37;
	v35 =	vsel vm10, v41, v35  }
0x102: {  	v37 =	vsel vm7, $0x20000, v37;
	vm11 =	vgt.f32 v42, v35  }
0x103: {  	v38 =	vld.idx.msk [tilespmem:v48+s16+$0x0], $0xffff;
	v37 =	vsel vm8, $0x24000, v37;
	v35 =	vsel vm11, v42, v35  }
0x104: {  	v37 =	vsel vm9, $0x28000, v37;
	vm12 =	vgt.f32 v36, v35  }
0x105: {  	v50 =	vsel vm10, $0x2C000, v37;
	v35 =	vsel vm12, v36, v35  }
0x106: {  	v36 =	vsel vm11, $0x30000, v50;
	vm13 =	vgt.f32 v49, v35  }
0x107: {  	v36 =	vsel vm12, $0x34000, v36;
	v35 =	vsel vm13, v49, v35  }
0x108: {  	v51 =	vsel vm13, $0x38000, v36;
	vm14 =	vgt.f32 v38, v35  }
0x109: {  	s31 =	sadd.s32 s31, s12;
	v35 =	vsel vm14, $0x3C000, v51  }
0x10a: {  	v35 =	vadd.s32 s31, v35  }
0x10b: {  	s0 =	sadd.s32 $0x10, s0;
	v35 =	vadd.s32 v0, v35  }
0x10c: {  	s2 =	rddreg [dreg:$0x1];
	[tilespmem:s0+$0x0] =	vst v35  }
0x10d: {  	[tilespmem:s19], [sflag:$0x1] =	stream.indirect.gather [hbm4b:s2+s17], $0x1, s18, s17, $0xb8;
	[tilespmem:$0x5080] =	vst v63  }
0x10e: {  	_ =	swait.ge [sflag:s14], $0x200  }
0x10f: {  	[sflag:s14] =	ssyncset.done $0x0  }
0x110: {  	s31 =	simm.s32 $0x0;
	[sflag:s14] =	ssyncadd.s32 $0xFFFFFE00  }
0x111: {  	v52 =	vld [tilespmem:s31+$0x4400];
	_ =	sdelay $0x4  }
0x112: {  	v53 =	vand.u32 $0x7FFFFFFF, v52  }
0x113: {  	v35 =	vsub.f32 $0.0e+00, v53;
	_ =	sdelay $0x1  }
0x114: {  	v35 =	vmul.f32 $1.442695020e+00, v35;
	_ =	sdelay $0x1  }
0x115: {  	(erf) = vpow2.f32 v35;
	_ =	sdelay $0x8  }
0x116: {  	v54 =	vpop (erf)  }
0x117: {  	v55 =	vmul.f32 $-8.466129190e-03, v54;
	_ =	sdelay $0x1  }
0x118: {  	v35 =	vadd.f32 $4.365805160e-02, v55;
	_ =	sdelay $0x1  }
0x119: {  	v35 =	vmul.f32 v35, v54;
	_ =	sdelay $0x1  }
0x11a: {  	v35 =	vadd.f32 $-1.067971740e-01, v35;
	_ =	sdelay $0x1  }
0x11b: {  	v35 =	vmul.f32 v35, v54;
	_ =	sdelay $0x1  }
0x11c: {  	v35 =	vadd.f32 $1.765967910e-01, v35;
	_ =	sdelay $0x1  }
0x11d: {  	v35 =	vmul.f32 v35, v54;
	_ =	sdelay $0x1  }
0x11e: {  	v35 =	vadd.f32 $-2.445330320e-01, v35;
	_ =	sdelay $0x1  }
0x11f: {  	v35 =	vmul.f32 v35, v54;
	_ =	sdelay $0x1  }
0x120: {  	v35 =	vadd.f32 $3.326523600e-01, v35;
	_ =	sdelay $0x1  }
0x121: {  	v56 =	vld [tilespmem:s31+$0x4600];
	v35 =	vmul.f32 v35, v54  }
0x122: {  	v57 =	vld [tilespmem:s31+$0x4200]  }
0x123: {  	v35 =	vadd.f32 $-4.999635520e-01, v35;
	_ =	sdelay $0x1  }
0x124: {  	v35 =	vmul.f32 v35, v54  }
0x125: {  	v58 =	vmul.f32 v56, v52  }
0x126: {  	v38 =	vadd.f32 v56, v56;
	v39 =	vshrl.u32 v57, $0xE;
	v59 =	vadd.f32 $9.999995230e-01, v35  }
0x127: {  	v60 =	vmax.f32 v52, $0.0e+00;
	v36 =	vadd.s32 v1, v39;
	v35 =	vld [tilespmem:$0x5000]  }
0x128: {  	v40 =	vsub.f32 v60, v58;
	v38 =	vadd.f32 $-1.000000000e+00, v38;
	v41 =	vmul.f32 v59, v54;
	_ =	sdelay $0x1  }
0x129: {  	v37 =	vmul.f32 v38, v52;
	v61 =	vadd.f32 v41, v40  }
0x12a: {  	v62 =	vor.u32 s12, v0  }
0x12b: {  	vm15 =	vlt.s32 v62, v35;
	v63 =	vadd.f32 v61, v37  }
0x12c: {  	v37 =	vsel vm15, $0x0, v19;
	[tilespmem:v36+s20+$0x0] =	vst.idx.add.f32.msk $0xffff, v61  }
0x12d: {  	s30 =	simm.s32 $0x80;
	s0 =	smov.u32 s12;
	s2 =	simm.s32 $0x40;
	[tilespmem:v36+s21+$0x0] =	vst.idx.add.f32.msk $0xffff, v19;
	v38 =	vmul.f32 v63, v37  }
.LBB2_6:
0x12e: {  	s31 =	sshra.s32 s2, $0x2  }
0x12f: {  	[tilespmem:v36+s22+$0x0] =	vst.idx.add.f32.msk $0xffff, v38;
	s0 =	sadd.s32 $0x10, s0;
	s2 =	smov.u32 s30;
	s1 =	sadd.s32 $0x40, s30  }
0x130: {  	p0 =	sne.s32 s30, $0x7C0;
	[tilespmem:v36+s23+$0x0] =	vst.idx.add.f32.msk $0xffff, v37  }
0x131: {  	v36 =	vld [tilespmem:s31+$0x4400];
	_ =	sdelay $0x4  }
0x132: {  	v37 =	vand.u32 $0x7FFFFFFF, v36  }
0x133: {  	v37 =	vsub.f32 $0.0e+00, v37;
	_ =	sdelay $0x1  }
0x134: {  	v37 =	vmul.f32 $1.442695020e+00, v37;
	_ =	sdelay $0x1  }
0x135: {  	(erf) = vpow2.f32 v37;
	_ =	sdelay $0x8  }
0x136: {  	v37 =	vpop (erf)  }
0x137: {  	v38 =	vmul.f32 $-8.466129190e-03, v37;
	_ =	sdelay $0x1  }
0x138: {  	v38 =	vadd.f32 $4.365805160e-02, v38;
	_ =	sdelay $0x1  }
0x139: {  	v38 =	vmul.f32 v38, v37;
	_ =	sdelay $0x1  }
0x13a: {  	v38 =	vadd.f32 $-1.067971740e-01, v38;
	_ =	sdelay $0x1  }
0x13b: {  	v38 =	vmul.f32 v38, v37;
	_ =	sdelay $0x1  }
0x13c: {  	v38 =	vadd.f32 $1.765967910e-01, v38;
	_ =	sdelay $0x1  }
0x13d: {  	v38 =	vmul.f32 v38, v37;
	_ =	sdelay $0x1  }
0x13e: {  	v38 =	vadd.f32 $-2.445330320e-01, v38;
	_ =	sdelay $0x1  }
0x13f: {  	v38 =	vmul.f32 v38, v37;
	_ =	sdelay $0x1  }
0x140: {  	v38 =	vadd.f32 $3.326523600e-01, v38;
	_ =	sdelay $0x1  }
0x141: {  	v39 =	vld [tilespmem:s31+$0x4600];
	v38 =	vmul.f32 v38, v37;
	_ =	sdelay $0x1  }
0x142: {  	v40 =	vld [tilespmem:s31+$0x4200];
	v38 =	vadd.f32 $-4.999635520e-01, v38;
	_ =	sdelay $0x1  }
0x143: {  	v38 =	vmul.f32 v38, v37  }
0x144: {  	v41 =	vmul.f32 v39, v36;
	v39 =	vadd.f32 v39, v39  }
0x145: {  	v42 =	vmax.f32 v36, $0.0e+00;
	v38 =	vadd.f32 $9.999995230e-01, v38  }
0x146: {  	v41 =	vsub.f32 v42, v41;
	v39 =	vadd.f32 $-1.000000000e+00, v39  }
0x147: {  	v40 =	vshrl.u32 v40, $0xE;
	v37 =	vmul.f32 v38, v37  }
0x148: {  	v38 =	vmul.f32 v39, v36;
	v36 =	vadd.s32 v1, v40  }
0x149: {  	v39 =	vadd.f32 v37, v41;
	v37 =	vor.u32 s0, v0  }
.Ltmp2:
0x14a: {  	vm0 =	vlt.s32 v37, v35;
	(pc) =	sbr.rel @p0 .LBB2_6-.Ltmp2, $3  }
0x14b: {  	v38 =	vadd.f32 v39, v38;
	v37 =	vsel vm0, $0x0, v19;
	_ =	sdelay $0x1  }
0x14c: {  	[tilespmem:v36+s20+$0x0] =	vst.idx.add.f32.msk $0xffff, v39;
	v38 =	vmul.f32 v38, v37  }
0x14d: {  	s30 =	smov.u32 s1;
	[tilespmem:v36+s21+$0x0] =	vst.idx.add.f32.msk $0xffff, v19  }
0x14e: {  	_ =	sdelay $0x3  }
0x14f: {  	[tilespmem:v36+s22+$0x0] =	vst.idx.add.f32.msk $0xffff, v38  }
0x150: {  	s1 =	sshra.s32 s2, $0x2;
	[tilespmem:v36+s23+$0x0] =	vst.idx.add.f32.msk $0xffff, v37  }
0x151: {  	v36 =	vld [tilespmem:s1+$0x4400];
	_ =	sdelay $0x4  }
0x152: {  	v54 =	vand.u32 $0x7FFFFFFF, v36  }
0x153: {  	v37 =	vsub.f32 $0.0e+00, v54;
	_ =	sdelay $0x1  }
0x154: {  	v37 =	vmul.f32 $1.442695020e+00, v37;
	_ =	sdelay $0x1  }
0x155: {  	(erf) = vpow2.f32 v37;
	_ =	sdelay $0x8  }
0x156: {  	v37 =	vpop (erf)  }
0x157: {  	v55 =	vmul.f32 $-8.466129190e-03, v37;
	_ =	sdelay $0x1  }
0x158: {  	v38 =	vadd.f32 $4.365805160e-02, v55;
	_ =	sdelay $0x1  }
0x159: {  	v38 =	vmul.f32 v38, v37;
	_ =	sdelay $0x1  }
0x15a: {  	v38 =	vadd.f32 $-1.067971740e-01, v38;
	_ =	sdelay $0x1  }
0x15b: {  	v38 =	vmul.f32 v38, v37;
	_ =	sdelay $0x1  }
0x15c: {  	v38 =	vadd.f32 $1.765967910e-01, v38;
	_ =	sdelay $0x1  }
0x15d: {  	v38 =	vmul.f32 v38, v37;
	_ =	sdelay $0x1  }
0x15e: {  	v38 =	vadd.f32 $-2.445330320e-01, v38;
	_ =	sdelay $0x1  }
0x15f: {  	v38 =	vmul.f32 v38, v37;
	_ =	sdelay $0x1  }
0x160: {  	v38 =	vadd.f32 $3.326523600e-01, v38;
	_ =	sdelay $0x1  }
0x161: {  	v38 =	vmul.f32 v38, v37  }
0x162: {  	v39 =	vld [tilespmem:s1+$0x4600]  }
0x163: {  	v40 =	vld [tilespmem:s1+$0x4200];
	v38 =	vadd.f32 $-4.999635520e-01, v38;
	_ =	sdelay $0x1  }
0x164: {  	v38 =	vmul.f32 v38, v37;
	_ =	sdelay $0x1  }
0x165: {  	v41 =	vmul.f32 v39, v36;
	v39 =	vadd.f32 v39, v39;
	v38 =	vadd.f32 $9.999995230e-01, v38  }
0x166: {  	v42 =	vmax.f32 v36, $0.0e+00;
	v40 =	vshrl.u32 v40, $0xE  }
0x167: {  	v41 =	vsub.f32 v42, v41;
	v39 =	vadd.f32 $-1.000000000e+00, v39;
	v37 =	vmul.f32 v38, v37  }
0x168: {  	v56 =	vadd.s32 v1, v40  }
0x169: {  	s0 =	sadd.s32 $0x10, s0;
	v20 =	vld [tilespmem:$0x1FF80];
	v36 =	vmul.f32 v39, v36;
	v37 =	vadd.f32 v37, v41  }
0x16a: {  	v57 =	vor.u32 s0, v0  }
0x16b: {  	vm0 =	vlt.s32 v57, v35;
	v58 =	vadd.f32 v37, v36  }
0x16c: {  	v59 =	vsel vm0, $0x0, v19  }
0x16d: {  	[tilespmem:v56+s20+$0x0] =	vst.idx.add.f32.msk $0xffff, v37;
	v35 =	vmul.f32 v58, v59  }
0x16e: {  	[tilespmem:v56+s21+$0x0] =	vst.idx.add.f32.msk $0xffff, v19  }
0x16f: {  	[tilespmem:v56+s22+$0x0] =	vst.idx.add.f32.msk $0xffff, v35  }
0x170: {  	[tilespmem:v56+s23+$0x0] =	vst.idx.add.f32.msk $0xffff, v59  }
0x171: {  	v39 =	vld.idx.msk [tilespmem:v20+s20+$0x0], $0xffff  }
0x172: {  	v40 =	vld.idx.msk [tilespmem:v20+s21+$0x0], $0xffff  }
0x173: {  	v41 =	vld.idx.msk [tilespmem:v20+s22+$0x0], $0xffff  }
0x174: {  	v42 =	vld.idx.msk [tilespmem:v20+s23+$0x0], $0xffff  }
0x175: {  	v20 =	vld [tilespmem:$0x1FF90];
	_ =	sdelay $0x7  }
0x176: {  	v43 =	vld.idx.msk [tilespmem:v20+s20+$0x0], $0xffff  }
0x177: {  	v44 =	vld.idx.msk [tilespmem:v20+s21+$0x0], $0xffff  }
0x178: {  	v45 =	vld.idx.msk [tilespmem:v20+s22+$0x0], $0xffff  }
0x179: {  	v46 =	vld.idx.msk [tilespmem:v20+s23+$0x0], $0xffff  }
0x17a: {  	v20 =	vld [tilespmem:$0x1FFA0];
	_ =	sdelay $0x5  }
0x17b: {  	v22 =	vld [tilespmem:$0x1FFE0]  }
0x17c: {  	v26 =	vld [tilespmem:$0x1FFF0]  }
0x17d: {  	v47 =	vld.idx.msk [tilespmem:v20+s20+$0x0], $0xffff  }
0x17e: {  	v48 =	vld.idx.msk [tilespmem:v20+s21+$0x0], $0xffff  }
0x17f: {  	v49 =	vld.idx.msk [tilespmem:v20+s22+$0x0], $0xffff  }
0x180: {  	v50 =	vld.idx.msk [tilespmem:v20+s23+$0x0], $0xffff  }
0x181: {  	v20 =	vld [tilespmem:$0x1FFB0]  }
0x182: {  	v35 =	vld.idx.msk [tilespmem:v0+s20+$0x0], $0xffff  }
0x183: {  	v36 =	vld.idx.msk [tilespmem:v0+s21+$0x0], $0xffff  }
0x184: {  	v37 =	vld.idx.msk [tilespmem:v0+s22+$0x0], $0xffff  }
0x185: {  	v38 =	vld.idx.msk [tilespmem:v0+s23+$0x0], $0xffff  }
0x186: {  	v63 =	vld.idx.msk [tilespmem:v22+s20+$0x0], $0xffff  }
0x187: {  	v21 =	vld.idx.msk [tilespmem:v22+s22+$0x0], $0xffff  }
0x188: {  	v23 =	vld.idx.msk [tilespmem:v26+s20+$0x0], $0xffff  }
0x189: {  	v51 =	vld.idx.msk [tilespmem:v20+s20+$0x0], $0xffff  }
0x18a: {  	v52 =	vld.idx.msk [tilespmem:v20+s21+$0x0], $0xffff  }
0x18b: {  	v53 =	vld.idx.msk [tilespmem:v20+s22+$0x0], $0xffff  }
0x18c: {  	v54 =	vld.idx.msk [tilespmem:v20+s23+$0x0], $0xffff  }
0x18d: {  	v20 =	vld [tilespmem:$0x1FFC0]  }
0x18e: {  	v24 =	vld.idx.msk [tilespmem:v26+s21+$0x0], $0xffff  }
0x18f: {  	v25 =	vld.idx.msk [tilespmem:v26+s22+$0x0], $0xffff  }
0x190: {  	v26 =	vld.idx.msk [tilespmem:v26+s23+$0x0], $0xffff;
	v35 =	vadd.f32 $0.0e+00, v35  }
0x191: {  	v27 =	vld.idx.msk [tilespmem:v28+s20+$0x0], $0xffff;
	v36 =	vadd.f32 $0.0e+00, v36  }
0x192: {  	v37 =	vadd.f32 $0.0e+00, v37;
	v35 =	vadd.f32 v39, v35;
	v39 =	vld.idx.msk [tilespmem:v28+s21+$0x0], $0xffff  }
0x193: {  	v36 =	vadd.f32 v40, v36;
	v40 =	vld.idx.msk [tilespmem:v28+s22+$0x0], $0xffff  }
0x194: {  	v37 =	vadd.f32 v41, v37;
	v41 =	vld.idx.msk [tilespmem:v28+s23+$0x0], $0xffff  }
0x195: {  	v55 =	vld.idx.msk [tilespmem:v20+s20+$0x0], $0xffff  }
0x196: {  	v56 =	vld.idx.msk [tilespmem:v20+s21+$0x0], $0xffff  }
0x197: {  	v57 =	vld.idx.msk [tilespmem:v20+s22+$0x0], $0xffff  }
0x198: {  	v38 =	vadd.f32 $0.0e+00, v38;
	v58 =	vld.idx.msk [tilespmem:v20+s23+$0x0], $0xffff  }
0x199: {  	v20 =	vld [tilespmem:$0x1FFD0]  }
0x19a: {  	v38 =	vadd.f32 v42, v38;
	v42 =	vld.idx.msk [tilespmem:v29+s20+$0x0], $0xffff  }
0x19b: {  	v35 =	vadd.f32 v43, v35;
	v43 =	vld.idx.msk [tilespmem:v29+s21+$0x0], $0xffff  }
0x19c: {  	v36 =	vadd.f32 v44, v36;
	v44 =	vld.idx.msk [tilespmem:v29+s22+$0x0], $0xffff  }
0x19d: {  	v37 =	vadd.f32 v45, v37;
	v45 =	vld.idx.msk [tilespmem:v29+s23+$0x0], $0xffff  }
0x19e: {  	v38 =	vadd.f32 v46, v38;
	v46 =	vld.idx.msk [tilespmem:v30+s20+$0x0], $0xffff  }
0x19f: {  	v35 =	vadd.f32 v47, v35;
	v47 =	vld.idx.msk [tilespmem:v30+s21+$0x0], $0xffff  }
0x1a0: {  	v36 =	vadd.f32 v48, v36;
	v48 =	vld.idx.msk [tilespmem:v30+s22+$0x0], $0xffff  }
0x1a1: {  	v59 =	vld.idx.msk [tilespmem:v20+s20+$0x0], $0xffff  }
0x1a2: {  	v60 =	vld.idx.msk [tilespmem:v20+s21+$0x0], $0xffff  }
0x1a3: {  	v37 =	vadd.f32 v49, v37;
	v35 =	vadd.f32 v51, v35;
	v61 =	vld.idx.msk [tilespmem:v20+s22+$0x0], $0xffff  }
0x1a4: {  	v38 =	vadd.f32 v50, v38;
	v36 =	vadd.f32 v52, v36;
	v62 =	vld.idx.msk [tilespmem:v20+s23+$0x0], $0xffff  }
0x1a5: {  	v37 =	vadd.f32 v53, v37;
	v35 =	vadd.f32 v55, v35;
	v20 =	vld.idx.msk [tilespmem:v22+s21+$0x0], $0xffff  }
0x1a6: {  	v49 =	vld.idx.msk [tilespmem:v30+s23+$0x0], $0xffff;
	v38 =	vadd.f32 v54, v38;
	v36 =	vadd.f32 v56, v36  }
0x1a7: {  	v37 =	vadd.f32 v57, v37;
	v22 =	vld.idx.msk [tilespmem:v22+s23+$0x0], $0xffff;
	v35 =	vadd.f32 v59, v35  }
0x1a8: {  	v52 =	vld.idx.msk [tilespmem:v31+s23+$0x0], $0xffff;
	v38 =	vadd.f32 v58, v38;
	v36 =	vadd.f32 v60, v36  }
0x1a9: {  	v53 =	vld.idx.msk [tilespmem:v32+s20+$0x0], $0xffff;
	v37 =	vadd.f32 v61, v37;
	v35 =	vadd.f32 v63, v35  }
0x1aa: {  	v54 =	vld.idx.msk [tilespmem:v32+s21+$0x0], $0xffff;
	v38 =	vadd.f32 v62, v38;
	v20 =	vadd.f32 v20, v36  }
0x1ab: {  	v55 =	vld.idx.msk [tilespmem:v32+s22+$0x0], $0xffff;
	v21 =	vadd.f32 v21, v37;
	v23 =	vadd.f32 v23, v35  }
0x1ac: {  	v56 =	vld.idx.msk [tilespmem:v33+s20+$0x0], $0xffff;
	v22 =	vadd.f32 v22, v38;
	v20 =	vadd.f32 v24, v20  }
0x1ad: {  	v57 =	vld.idx.msk [tilespmem:v33+s21+$0x0], $0xffff;
	v21 =	vadd.f32 v25, v21;
	v23 =	vadd.f32 v27, v23  }
0x1ae: {  	v60 =	vld.idx.msk [tilespmem:v31+s20+$0x0], $0xffff;
	v22 =	vadd.f32 v26, v22;
	v20 =	vadd.f32 v39, v20  }
0x1af: {  	v61 =	vld.idx.msk [tilespmem:v31+s21+$0x0], $0xffff;
	v21 =	vadd.f32 v40, v21;
	v23 =	vadd.f32 v42, v23  }
0x1b0: {  	v63 =	vld.idx.msk [tilespmem:v31+s22+$0x0], $0xffff;
	v22 =	vadd.f32 v41, v22;
	v20 =	vadd.f32 v43, v20  }
0x1b1: {  	v58 =	vld.idx.msk [tilespmem:v33+s22+$0x0], $0xffff;
	v21 =	vadd.f32 v44, v21;
	v23 =	vadd.f32 v46, v23  }
0x1b2: {  	v59 =	vld.idx.msk [tilespmem:v33+s23+$0x0], $0xffff;
	v22 =	vadd.f32 v45, v22;
	v20 =	vadd.f32 v47, v20  }
0x1b3: {  	v27 =	vld.idx.msk [tilespmem:v32+s23+$0x0], $0xffff;
	v21 =	vadd.f32 v48, v21;
	v23 =	vadd.f32 v60, v23  }
0x1b4: {  	v22 =	vadd.f32 v49, v22;
	v20 =	vadd.f32 v61, v20;
	v60 =	vld.idx.msk [tilespmem:v34+s20+$0x0], $0xffff  }
0x1b5: {  	v21 =	vadd.f32 v63, v21;
	v61 =	vld.idx.msk [tilespmem:v34+s21+$0x0], $0xffff;
	v23 =	vadd.f32 v53, v23  }
0x1b6: {  	v62 =	vld.idx.msk [tilespmem:v34+s22+$0x0], $0xffff;
	v22 =	vadd.f32 v52, v22;
	v20 =	vadd.f32 v54, v20  }
0x1b7: {  	v63 =	vld.idx.msk [tilespmem:v34+s23+$0x0], $0xffff;
	v21 =	vadd.f32 v55, v21;
	v23 =	vadd.f32 v56, v23  }
0x1b8: {  	v22 =	vadd.f32 v27, v22;
	v20 =	vadd.f32 v57, v20  }
0x1b9: {  	v21 =	vadd.f32 v58, v21;
	v23 =	vadd.f32 v60, v23  }
0x1ba: {  	v22 =	vadd.f32 v59, v22;
	v20 =	vadd.f32 v61, v20  }
0x1bb: {  	v21 =	vadd.f32 v62, v21;
	[tilespmem:$0x4E00] =	vst v23  }
0x1bc: {  	v22 =	vadd.f32 v63, v22;
	[tilespmem:$0x4E80] =	vst v20  }
0x1bd: {  	[tilespmem:$0x4F00] =	vst v21  }
0x1be: {  	[tilespmem:$0x4F80] =	vst v22  }
0x1bf: {  	[hbm4b:s7+s4] =	stream.linear.scatter [tilespmem:s24], [sflag:$0x1], $0x80, $0x38;
	[tilespmem:$0x5080] =	vst v63  }
0x1c0: {  	_ =	swait.ge [sflag:s14], $0x80  }
0x1c1: {  	[sflag:s14] =	ssyncset.done $0x0  }
0x1c2: {  	[sflag:s14] =	ssyncadd.s32 $0xFFFFFF80  }
0x1c3: {  	[hbm4b:s8+s4] =	stream.linear.scatter [tilespmem:s25], [sflag:$0x1], $0x80, $0x38;
	[tilespmem:$0x5080] =	vst v63  }
0x1c4: {  	_ =	swait.ge [sflag:s14], $0x80  }
0x1c5: {  	[sflag:s14] =	ssyncset.done $0x0  }
0x1c6: {  	[sflag:s14] =	ssyncadd.s32 $0xFFFFFF80  }
0x1c7: {  	[hbm4b:s9+s4] =	stream.linear.scatter [tilespmem:s26], [sflag:$0x1], $0x80, $0x38;
	[tilespmem:$0x5080] =	vst v63  }
0x1c8: {  	s29 =	sadd.s32 $0x1, s29;
	_ =	swait.ge [sflag:s14], $0x80  }
0x1c9: {  	p0 =	sne.s32 s29, s11;
	[sflag:s14] =	ssyncset.done $0x0  }
.Ltmp3:
0x1ca: {  	[sflag:s14] =	ssyncadd.s32 $0xFFFFFF80;
	(pc) =	sbr.rel @p0 .LBB2_1-.Ltmp3, $4  }
0x1cb: {  	[hbm4b:s10+s4] =	stream.linear.scatter [tilespmem:s28], [sflag:$0x1], $0x80, $0x38;
	[tilespmem:$0x5080] =	vst v63  }
0x1cc: {  	_ =	swait.ge [sflag:s14], $0x80  }
0x1cd: {  	[sflag:s14] =	ssyncset.done $0x0  }
0x1ce: {  	[sflag:s14] =	ssyncadd.s32 $0xFFFFFF80  }
0x1cf: {  	_ =	sfence.sel $0x180000  }
0x1d0: {  	[bflag:$0x0] =	sbarrier.arrive $0xFFFF  }
0x1d1: {  	_ =	strace $0x90000047  }
0x1d2: {  	s0 =	stileid.u32;
	[bflag:$0x2] =	sbarrier.arrive $0xFFFF  }
0x1d3: {  	p0 =	sne.s32 s0, $0x0;
	s0 =	rddreg [dreg:$0x4]  }
0x1d4: {  	s0 =	sadd.s32 @!p0 $0x100000, s0  }
0x1d5: {  	[sflag:s0] =	ssyncadd.tile.s32 @!p0 $0x1;
	_ =	shalt  }
.Lfunc_end2:
_tile_overlayer_lowered:
.L_overlay_start_2:
0x1d6: {  	(tag) =	ssettag $0x2  }
0x1d7: {  	s0 =	rddreg [dreg:$0x0];
	s2 =	stileid.u32  }
0x1d8: {  	s1 =	rddreg [dreg:$0x1];
	p0 =	sne.s32 s2, $0x0  }
0x1d9: {  	s3 =	rddreg [dreg:$0x2];
	[bflag:$0x3] =	sbarrier.arrive $0xFFFF;
	s2 =	simm.s32 @!p0 $0x1C01  }
0x1da: {  	[timem:s3], [sflag:s2] =	dma.local @!p0 [hbm:s0], s1  }
0x1db: {  	s0 =	simm.s32 @!p0 $0x1  }
0x1dc: {  	_ =	swait.ge @!p0 [sflag:s0], s1  }
0x1dd: {  	s1 =	ssub.s32 @!p0 $0x0, s1;
	[sflag:s0] =	ssyncset.done @!p0 $0x0  }
0x1de: {  	[sflag:s0] =	ssyncadd.s32 @!p0 s1  }
0x1df: {  	[bflag:$0x3] =	sbarrier.arrive $0xFFFF  }
0x1e0: {  	_ =	shalt  }

</sc_bundles>
